<compile_context>
chip_gen: v7x
topology: tpu7x:2x2x1
jax: 0.10.2.dev20260603
libtpu: 0.0.44.dev20260713+nightly
codegen_flags: <defaults>
</compile_context>

<pallas_src>
import functools

import jax
import jax.numpy as jnp
from jax import lax
from jax.experimental import pallas as pl
from jax.experimental.pallas import tpu as pltpu
from jax.experimental.pallas import tpu_sc as plsc

VOCAB = 100000
SEQ_LEN = 2048
EMBED = 128
BATCH = 4

NC = 2
NS = 16
NW = NC * NS
B_PER_W = (BATCH * SEQ_LEN) // NW
CH = 64
NCH = B_PER_W // CH
LANES = 16
SCALE = 11.31370849898476


def _sc_embed(idx, token_table, pos_table):
  mesh = plsc.VectorSubcoreMesh(core_axis_name="c", subcore_axis_name="s")

  @functools.partial(
      pl.kernel,
      mesh=mesh,
      out_type=jax.ShapeDtypeStruct((BATCH, SEQ_LEN, EMBED), jnp.float32),
      scratch_types=[
          pltpu.VMEM((NCH, CH), jnp.int32),
          pltpu.VMEM((B_PER_W, EMBED), jnp.float32),
          pltpu.VMEM((B_PER_W, EMBED), jnp.float32),
          pltpu.VMEM_SHARED((SEQ_LEN // NC, EMBED), jnp.float32),
          pltpu.SemaphoreType.DMA((NCH,)),
          pltpu.SemaphoreType.DMA((NCH,)),
          pltpu.SemaphoreType.DMA((NCH,)),
          pltpu.SemaphoreType.DMA((NCH,)),
          pltpu.SemaphoreType.DMA,
      ],
  )
  def k(idx_hbm, tok_hbm, pos_hbm, out_hbm, idx_v, tok_v, pos_v, spos,
        isem, gsem, psem, wsem, ssem):
    sid = lax.axis_index("s")
    cid = lax.axis_index("c")
    b = sid // (NS // BATCH)
    sl = (sid % (NS // BATCH)) * B_PER_W
    s0 = cid * (SEQ_LEN // NC) + sl
    srows = SEQ_LEN // NC // NS
    stage = pltpu.async_copy(
        pos_hbm.at[pl.ds(cid * (SEQ_LEN // NC) + sid * srows, srows)],
        spos.at[pl.ds(sid * srows, srows)],
        ssem,
    )
    idx_copies = [
        pltpu.async_copy(idx_hbm.at[b, pl.ds(s0 + c * CH, CH)],
                         idx_v.at[c], isem.at[c])
        for c in range(NCH)
    ]
    gathers = []
    for c in range(NCH):
      idx_copies[c].wait()
      gathers.append(
          pltpu.async_copy(
              tok_hbm.at[idx_v.at[c]],
              tok_v.at[pl.ds(c * CH, CH)],
              gsem.at[c],
          ))
    stage.wait()
    plsc.subcore_barrier()
    pos_copies = [
        pltpu.async_copy(
            spos.at[pl.ds(sl + c * CH, CH)],
            pos_v.at[pl.ds(c * CH, CH)],
            psem.at[c],
        ) for c in range(NCH)
    ]

    writes = []
    for c in range(NCH):
      gathers[c].wait()
      pos_copies[c].wait()

      def row(r, carry):
        for j in range(EMBED // LANES):
          t = (r, pl.ds(j * LANES, LANES))
          plsc.addupdate(pos_v.at[t], tok_v[t] * SCALE)
        return carry

      lax.fori_loop(c * CH, (c + 1) * CH, row, 0, unroll=2)
      writes.append(
          pltpu.async_copy(
              pos_v.at[pl.ds(c * CH, CH)],
              out_hbm.at[b].at[pl.ds(s0 + c * CH, CH)],
              wsem.at[c],
          ))
    for w in writes:
      w.wait()

  return k(idx, token_table, pos_table)


def kernel(inputs, token_table, pos_table):
  return _sc_embed(inputs.astype(jnp.int32), token_table, pos_table)

# --- scband reference (transcript-rebuilt; emitter-appended) ---
"""Pipeline reference for scband-token-and-positional-embedding-50689204027713 (READ-ONLY COPY).

The authoritative reference and input builder live on the scoring server;
editing this copy changes nothing except your own understanding.
"""

import jax, jax.numpy as jnp
import numpy as np

VOCAB = 100000
SEQ_LEN = 2048
EMBED = 128
BATCH = 4

def setup_inputs(seed: int = 0) -> dict:
    key = jax.random.key(seed)
    k1, k2, k3 = jax.random.split(key, 3)
    inputs = jax.random.randint(k1, (BATCH, SEQ_LEN), 0, VOCAB, dtype=jnp.int64 if jax.config.jax_enable_x64 else jnp.int32)
    token_table = jax.random.normal(k2, (VOCAB, EMBED), dtype=jnp.float32) * 0.02
    pos_table = jax.random.normal(k3, (SEQ_LEN, EMBED), dtype=jnp.float32) * 0.02
    return {"inputs": inputs, "token_table": token_table, "pos_table": pos_table}

def reference(inputs, token_table, pos_table):
    seq_len = inputs.shape[1]
    embed_scale = jnp.sqrt(jnp.asarray(EMBED, dtype=jnp.float32))
    token_embedding = jnp.take(token_table, inputs, axis=0)  # [B, S, D]
    token_embedding = token_embedding * embed_scale
    positions = jnp.arange(0, seq_len)
    positional_embedding = jnp.take(pos_table, positions, axis=0)  # [S, D]
    embeddings = token_embedding + positional_embedding[None, :, :]
    return embeddings

if __name__ == "__main__":
    import jax
    _d = setup_inputs()
    print(jax.jit(kernel)(*tuple(_d.values())))

</pallas_src>

<mosaic_0001>
#map = affine_map<(d0, d1) -> (0, 0)>
#map1 = affine_map<(d0, d1) -> (0, 0, 0)>
module attributes {stable_mosaic.version = 14 : i64} {
  func.func @k(%arg0: i32, %arg1: i32, %arg2: memref<4x2048xi32, #tpu.memory_space<hbm>>, %arg3: memref<100000x128xf32, #tpu.memory_space<hbm>>, %arg4: memref<2048x128xf32, #tpu.memory_space<hbm>>, %arg5: memref<4x2048x128xf32, #tpu.memory_space<hbm>>, %arg6: memref<4x64xi32, #tpu.memory_space<vmem>>, %arg7: memref<256x128xf32, #tpu.memory_space<vmem>>, %arg8: memref<256x128xf32, #tpu.memory_space<vmem>>, %arg9: memref<1024x128xf32, #tpu.memory_space<vmem_shared>>, %arg10: memref<4x!tpu.dma_semaphore, #tpu.memory_space<semaphore_mem>>, %arg11: memref<4x!tpu.dma_semaphore, #tpu.memory_space<semaphore_mem>>, %arg12: memref<4x!tpu.dma_semaphore, #tpu.memory_space<semaphore_mem>>, %arg13: memref<4x!tpu.dma_semaphore, #tpu.memory_space<semaphore_mem>>, %arg14: memref<!tpu.dma_semaphore, #tpu.memory_space<semaphore_mem>>) attributes {dimension_semantics = [#tpu.dimension_semantics<core_parallel>, #tpu.dimension_semantics<subcore_parallel>], iteration_bounds = array<i64: 2, 16>, scalar_prefetch = 0 : i64, scratch_operands = 9 : i64, tpu.core_type = #tpu.core_type<sc_vector_subcore>, window_params = [{transform_indices = #map}, {transform_indices = #map}, {transform_indices = #map}, {transform_indices = #map1}]} {
    %jit3A = arith.constant 4 : i32
    %div3A = arith.divsi %arg1, %jit3A : i32
    %sign3A = arith.constant 0 : i32
    %sign3A_0 = arith.cmpi sgt, %arg1, %sign3A : i32
    %sign3A_1 = arith.extui %sign3A_0 : i1 to i32
    %sign3A_2 = arith.constant 0 : i32
    %sign3A_3 = arith.cmpi slt, %arg1, %sign3A_2 : i32
    %sign3A_4 = arith.extui %sign3A_3 : i1 to i32
    %sign3A_5 = arith.subi %sign3A_1, %sign3A_4 : i32
    %sign3A_6 = arith.constant 0 : i32
    %sign3A_7 = arith.cmpi sgt, %jit3A, %sign3A_6 : i32
    %sign3A_8 = arith.extui %sign3A_7 : i1 to i32
    %sign3A_9 = arith.constant 0 : i32
    %sign3A_10 = arith.cmpi slt, %jit3A, %sign3A_9 : i32
    %sign3A_11 = arith.extui %sign3A_10 : i1 to i32
    %sign3A_12 = arith.subi %sign3A_8, %sign3A_11 : i32
    %ne3A = arith.cmpi ne, %sign3A_5, %sign3A_12 : i32
    %rem3A = arith.remsi %arg1, %jit3A : i32
    %ne3A_13 = arith.constant 0 : i32
    %ne3A_14 = arith.cmpi ne, %rem3A, %ne3A_13 : i32
    %and3A = arith.andi %ne3A, %ne3A_14 : i1
    %sub3A = arith.constant 1 : i32
    %sub3A_15 = arith.subi %div3A, %sub3A : i32
    %select_n3A = arith.select %and3A, %sub3A_15, %div3A : i32
    %jit3A_16 = arith.constant 4 : i32
    %eq3A = arith.constant 0 : i32
    %eq3A_17 = arith.cmpi eq, %jit3A_16, %eq3A : i32
    %jit3A_18 = arith.constant 1 : i32
    %select_n3A_19 = arith.select %eq3A_17, %jit3A_18, %jit3A_16 : i32
    %rem3A_20 = arith.remsi %arg1, %select_n3A_19 : i32
    %ne3A_21 = arith.constant 0 : i32
    %ne3A_22 = arith.cmpi ne, %rem3A_20, %ne3A_21 : i32
    %lt3A = arith.constant 0 : i32
    %lt3A_23 = arith.cmpi slt, %rem3A_20, %lt3A : i32
    %lt3A_24 = arith.constant 0 : i32
    %lt3A_25 = arith.cmpi slt, %select_n3A_19, %lt3A_24 : i32
    %ne3A_26 = arith.xori %lt3A_23, %lt3A_25 : i1
    %and3A_27 = arith.andi %ne3A_26, %ne3A_22 : i1
    %add3A = arith.addi %rem3A_20, %select_n3A_19 : i32
    %select_n3A_28 = arith.select %and3A_27, %add3A, %rem3A_20 : i32
    %mul3A = arith.constant 256 : i32
    %mul3A_29 = arith.muli %select_n3A_28, %mul3A : i32
    %mul3A_30 = arith.constant 1024 : i32
    %mul3A_31 = arith.muli %arg0, %mul3A_30 : i32
    %add3A_32 = arith.addi %mul3A_31, %mul3A_29 : i32
    %mul3A_33 = arith.constant 1024 : i32
    %mul3A_34 = arith.muli %arg0, %mul3A_33 : i32
    %mul3A_35 = arith.constant 64 : i32
    %mul3A_36 = arith.muli %arg1, %mul3A_35 : i32
    %add3A_37 = arith.addi %mul3A_34, %mul3A_36 : i32
    %mul3A_38 = arith.constant 64 : i32
    %mul3A_39 = arith.muli %arg1, %mul3A_38 : i32
    %dma_start3A = arith.constant 0 : i32
    %dma_start3A_40 = tpu.memref_slice %arg9[%mul3A_39, %dma_start3A] : memref<1024x128xf32, #tpu.memory_space<vmem_shared>> -> memref<64x128xf32, #tpu.memory_space<vmem_shared>>
    %dma_start3A_41 = arith.constant 0 : i32
    %dma_start3A_42 = tpu.memref_slice %arg4[%add3A_37, %dma_start3A_41] : memref<2048x128xf32, #tpu.memory_space<hbm>> -> memref<64x128xf32, #tpu.memory_space<hbm>>
    tpu.enqueue_dma source(%dma_start3A_42 : memref<64x128xf32, #tpu.memory_space<hbm>>) target(%dma_start3A_40 : memref<64x128xf32, #tpu.memory_space<vmem_shared>>) target_semaphore(%arg14 : memref<!tpu.dma_semaphore, #tpu.memory_space<semaphore_mem>>)
    %add3A_43 = arith.constant 0 : i32
    %add3A_44 = arith.addi %add3A_32, %add3A_43 : i32
    %dma_start3A_45 = arith.constant 0 : i32
    %dma_start3A_46 = arith.constant 0 : i32
    %dma_start3A_47 = arith.constant 0 : i32
    %dma_start3A_48 = tpu.memref_slice %arg6[%dma_start3A_45, %dma_start3A_47] : memref<4x64xi32, #tpu.memory_space<vmem>> -> memref<1x64xi32, #tpu.memory_space<vmem>>
    %dma_start3A_49 = tpu.memref_squeeze %dma_start3A_48 : memref<1x64xi32, #tpu.memory_space<vmem>> -> memref<64xi32, #tpu.memory_space<vmem>>
    %dma_start3A_50 = tpu.memref_slice %arg2[%select_n3A, %add3A_44] : memref<4x2048xi32, #tpu.memory_space<hbm>> -> memref<1x64xi32, #tpu.memory_space<hbm>>
    %dma_start3A_51 = tpu.memref_squeeze %dma_start3A_50 : memref<1x64xi32, #tpu.memory_space<hbm>> -> memref<64xi32, #tpu.memory_space<hbm>>
    %dma_start3A_52 = tpu.memref_slice %arg10[%dma_start3A_46] : memref<4x!tpu.dma_semaphore, #tpu.memory_space<semaphore_mem>> -> memref<1x!tpu.dma_semaphore, #tpu.memory_space<semaphore_mem>>
    %dma_start3A_53 = tpu.memref_squeeze %dma_start3A_52 : memref<1x!tpu.dma_semaphore, #tpu.memory_space<semaphore_mem>> -> memref<!tpu.dma_semaphore, #tpu.memory_space<semaphore_mem>>
    %dma_start3A_54 = arith.constant 0 : i32
    %dma_start3A_55 = tpu.memref_slice %arg6[%dma_start3A_45, %dma_start3A_54] : memref<4x64xi32, #tpu.memory_space<vmem>> -> memref<1x64xi32, #tpu.memory_space<vmem>>
    %dma_start3A_56 = tpu.memref_squeeze %dma_start3A_55 : memref<1x64xi32, #tpu.memory_space<vmem>> -> memref<64xi32, #tpu.memory_space<vmem>>
    %dma_start3A_57 = tpu.memref_slice %arg2[%select_n3A, %add3A_44] : memref<4x2048xi32, #tpu.memory_space<hbm>> -> memref<1x64xi32, #tpu.memory_space<hbm>>
    %dma_start3A_58 = tpu.memref_squeeze %dma_start3A_57 : memref<1x64xi32, #tpu.memory_space<hbm>> -> memref<64xi32, #tpu.memory_space<hbm>>
    tpu.enqueue_dma source(%dma_start3A_58 : memref<64xi32, #tpu.memory_space<hbm>>) target(%dma_start3A_56 : memref<64xi32, #tpu.memory_space<vmem>>) target_semaphore(%dma_start3A_53 : memref<!tpu.dma_semaphore, #tpu.memory_space<semaphore_mem>>)
    %add3A_59 = arith.constant 64 : i32
    %add3A_60 = arith.addi %add3A_32, %add3A_59 : i32
    %dma_start3A_61 = arith.constant 1 : i32
    %dma_start3A_62 = arith.constant 1 : i32
    %dma_start3A_63 = arith.constant 0 : i32
    %dma_start3A_64 = tpu.memref_slice %arg6[%dma_start3A_61, %dma_start3A_63] : memref<4x64xi32, #tpu.memory_space<vmem>> -> memref<1x64xi32, #tpu.memory_space<vmem>>
    %dma_start3A_65 = tpu.memref_squeeze %dma_start3A_64 : memref<1x64xi32, #tpu.memory_space<vmem>> -> memref<64xi32, #tpu.memory_space<vmem>>
    %dma_start3A_66 = tpu.memref_slice %arg2[%select_n3A, %add3A_60] : memref<4x2048xi32, #tpu.memory_space<hbm>> -> memref<1x64xi32, #tpu.memory_space<hbm>>
    %dma_start3A_67 = tpu.memref_squeeze %dma_start3A_66 : memref<1x64xi32, #tpu.memory_space<hbm>> -> memref<64xi32, #tpu.memory_space<hbm>>
    %dma_start3A_68 = tpu.memref_slice %arg10[%dma_start3A_62] : memref<4x!tpu.dma_semaphore, #tpu.memory_space<semaphore_mem>> -> memref<1x!tpu.dma_semaphore, #tpu.memory_space<semaphore_mem>>
    %dma_start3A_69 = tpu.memref_squeeze %dma_start3A_68 : memref<1x!tpu.dma_semaphore, #tpu.memory_space<semaphore_mem>> -> memref<!tpu.dma_semaphore, #tpu.memory_space<semaphore_mem>>
    %dma_start3A_70 = arith.constant 0 : i32
    %dma_start3A_71 = tpu.memref_slice %arg6[%dma_start3A_61, %dma_start3A_70] : memref<4x64xi32, #tpu.memory_space<vmem>> -> memref<1x64xi32, #tpu.memory_space<vmem>>
    %dma_start3A_72 = tpu.memref_squeeze %dma_start3A_71 : memref<1x64xi32, #tpu.memory_space<vmem>> -> memref<64xi32, #tpu.memory_space<vmem>>
    %dma_start3A_73 = tpu.memref_slice %arg2[%select_n3A, %add3A_60] : memref<4x2048xi32, #tpu.memory_space<hbm>> -> memref<1x64xi32, #tpu.memory_space<hbm>>
    %dma_start3A_74 = tpu.memref_squeeze %dma_start3A_73 : memref<1x64xi32, #tpu.memory_space<hbm>> -> memref<64xi32, #tpu.memory_space<hbm>>
    tpu.enqueue_dma source(%dma_start3A_74 : memref<64xi32, #tpu.memory_space<hbm>>) target(%dma_start3A_72 : memref<64xi32, #tpu.memory_space<vmem>>) target_semaphore(%dma_start3A_69 : memref<!tpu.dma_semaphore, #tpu.memory_space<semaphore_mem>>)
    %add3A_75 = arith.constant 128 : i32
    %add3A_76 = arith.addi %add3A_32, %add3A_75 : i32
    %dma_start3A_77 = arith.constant 2 : i32
    %dma_start3A_78 = arith.constant 2 : i32
    %dma_start3A_79 = arith.constant 0 : i32
    %dma_start3A_80 = tpu.memref_slice %arg6[%dma_start3A_77, %dma_start3A_79] : memref<4x64xi32, #tpu.memory_space<vmem>> -> memref<1x64xi32, #tpu.memory_space<vmem>>
    %dma_start3A_81 = tpu.memref_squeeze %dma_start3A_80 : memref<1x64xi32, #tpu.memory_space<vmem>> -> memref<64xi32, #tpu.memory_space<vmem>>
    %dma_start3A_82 = tpu.memref_slice %arg2[%select_n3A, %add3A_76] : memref<4x2048xi32, #tpu.memory_space<hbm>> -> memref<1x64xi32, #tpu.memory_space<hbm>>
    %dma_start3A_83 = tpu.memref_squeeze %dma_start3A_82 : memref<1x64xi32, #tpu.memory_space<hbm>> -> memref<64xi32, #tpu.memory_space<hbm>>
    %dma_start3A_84 = tpu.memref_slice %arg10[%dma_start3A_78] : memref<4x!tpu.dma_semaphore, #tpu.memory_space<semaphore_mem>> -> memref<1x!tpu.dma_semaphore, #tpu.memory_space<semaphore_mem>>
    %dma_start3A_85 = tpu.memref_squeeze %dma_start3A_84 : memref<1x!tpu.dma_semaphore, #tpu.memory_space<semaphore_mem>> -> memref<!tpu.dma_semaphore, #tpu.memory_space<semaphore_mem>>
    %dma_start3A_86 = arith.constant 0 : i32
    %dma_start3A_87 = tpu.memref_slice %arg6[%dma_start3A_77, %dma_start3A_86] : memref<4x64xi32, #tpu.memory_space<vmem>> -> memref<1x64xi32, #tpu.memory_space<vmem>>
    %dma_start3A_88 = tpu.memref_squeeze %dma_start3A_87 : memref<1x64xi32, #tpu.memory_space<vmem>> -> memref<64xi32, #tpu.memory_space<vmem>>
    %dma_start3A_89 = tpu.memref_slice %arg2[%select_n3A, %add3A_76] : memref<4x2048xi32, #tpu.memory_space<hbm>> -> memref<1x64xi32, #tpu.memory_space<hbm>>
    %dma_start3A_90 = tpu.memref_squeeze %dma_start3A_89 : memref<1x64xi32, #tpu.memory_space<hbm>> -> memref<64xi32, #tpu.memory_space<hbm>>
    tpu.enqueue_dma source(%dma_start3A_90 : memref<64xi32, #tpu.memory_space<hbm>>) target(%dma_start3A_88 : memref<64xi32, #tpu.memory_space<vmem>>) target_semaphore(%dma_start3A_85 : memref<!tpu.dma_semaphore, #tpu.memory_space<semaphore_mem>>)
    %add3A_91 = arith.constant 192 : i32
    %add3A_92 = arith.addi %add3A_32, %add3A_91 : i32
    %dma_start3A_93 = arith.constant 3 : i32
    %dma_start3A_94 = arith.constant 3 : i32
    %dma_start3A_95 = arith.constant 0 : i32
    %dma_start3A_96 = tpu.memref_slice %arg6[%dma_start3A_93, %dma_start3A_95] : memref<4x64xi32, #tpu.memory_space<vmem>> -> memref<1x64xi32, #tpu.memory_space<vmem>>
    %dma_start3A_97 = tpu.memref_squeeze %dma_start3A_96 : memref<1x64xi32, #tpu.memory_space<vmem>> -> memref<64xi32, #tpu.memory_space<vmem>>
    %dma_start3A_98 = tpu.memref_slice %arg2[%select_n3A, %add3A_92] : memref<4x2048xi32, #tpu.memory_space<hbm>> -> memref<1x64xi32, #tpu.memory_space<hbm>>
    %dma_start3A_99 = tpu.memref_squeeze %dma_start3A_98 : memref<1x64xi32, #tpu.memory_space<hbm>> -> memref<64xi32, #tpu.memory_space<hbm>>
    %dma_start3A_100 = tpu.memref_slice %arg10[%dma_start3A_94] : memref<4x!tpu.dma_semaphore, #tpu.memory_space<semaphore_mem>> -> memref<1x!tpu.dma_semaphore, #tpu.memory_space<semaphore_mem>>
    %dma_start3A_101 = tpu.memref_squeeze %dma_start3A_100 : memref<1x!tpu.dma_semaphore, #tpu.memory_space<semaphore_mem>> -> memref<!tpu.dma_semaphore, #tpu.memory_space<semaphore_mem>>
    %dma_start3A_102 = arith.constant 0 : i32
    %dma_start3A_103 = tpu.memref_slice %arg6[%dma_start3A_93, %dma_start3A_102] : memref<4x64xi32, #tpu.memory_space<vmem>> -> memref<1x64xi32, #tpu.memory_space<vmem>>
    %dma_start3A_104 = tpu.memref_squeeze %dma_start3A_103 : memref<1x64xi32, #tpu.memory_space<vmem>> -> memref<64xi32, #tpu.memory_space<vmem>>
    %dma_start3A_105 = tpu.memref_slice %arg2[%select_n3A, %add3A_92] : memref<4x2048xi32, #tpu.memory_space<hbm>> -> memref<1x64xi32, #tpu.memory_space<hbm>>
    %dma_start3A_106 = tpu.memref_squeeze %dma_start3A_105 : memref<1x64xi32, #tpu.memory_space<hbm>> -> memref<64xi32, #tpu.memory_space<hbm>>
    tpu.enqueue_dma source(%dma_start3A_106 : memref<64xi32, #tpu.memory_space<hbm>>) target(%dma_start3A_104 : memref<64xi32, #tpu.memory_space<vmem>>) target_semaphore(%dma_start3A_101 : memref<!tpu.dma_semaphore, #tpu.memory_space<semaphore_mem>>)
    %dma_wait3A = arith.constant 0 : i32
    %dma_wait3A_107 = arith.constant 0 : i32
    %dma_wait3A_108 = arith.constant 0 : i32
    %dma_wait3A_109 = tpu.memref_slice %arg6[%dma_wait3A, %dma_wait3A_108] : memref<4x64xi32, #tpu.memory_space<vmem>> -> memref<1x64xi32, #tpu.memory_space<vmem>>
    %dma_wait3A_110 = tpu.memref_squeeze %dma_wait3A_109 : memref<1x64xi32, #tpu.memory_space<vmem>> -> memref<64xi32, #tpu.memory_space<vmem>>
    %dma_wait3A_111 = tpu.memref_slice %arg2[%select_n3A, %add3A_44] : memref<4x2048xi32, #tpu.memory_space<hbm>> -> memref<1x64xi32, #tpu.memory_space<hbm>>
    %dma_wait3A_112 = tpu.memref_squeeze %dma_wait3A_111 : memref<1x64xi32, #tpu.memory_space<hbm>> -> memref<64xi32, #tpu.memory_space<hbm>>
    %dma_wait3A_113 = tpu.memref_slice %arg10[%dma_wait3A_107] : memref<4x!tpu.dma_semaphore, #tpu.memory_space<semaphore_mem>> -> memref<1x!tpu.dma_semaphore, #tpu.memory_space<semaphore_mem>>
    %dma_wait3A_114 = tpu.memref_squeeze %dma_wait3A_113 : memref<1x!tpu.dma_semaphore, #tpu.memory_space<semaphore_mem>> -> memref<!tpu.dma_semaphore, #tpu.memory_space<semaphore_mem>>
    %dma_wait3A_115 = arith.constant 0 : i32
    %dma_wait3A_116 = tpu.memref_slice %arg6[%dma_wait3A, %dma_wait3A_115] : memref<4x64xi32, #tpu.memory_space<vmem>> -> memref<1x64xi32, #tpu.memory_space<vmem>>
    %dma_wait3A_117 = tpu.memref_squeeze %dma_wait3A_116 : memref<1x64xi32, #tpu.memory_space<vmem>> -> memref<64xi32, #tpu.memory_space<vmem>>
    %dma_wait3A_118 = tpu.memref_slice %arg2[%select_n3A, %add3A_44] : memref<4x2048xi32, #tpu.memory_space<hbm>> -> memref<1x64xi32, #tpu.memory_space<hbm>>
    %dma_wait3A_119 = tpu.memref_squeeze %dma_wait3A_118 : memref<1x64xi32, #tpu.memory_space<hbm>> -> memref<64xi32, #tpu.memory_space<hbm>>
    tpu.wait_dma2 semaphore(%dma_wait3A_114 : memref<!tpu.dma_semaphore, #tpu.memory_space<semaphore_mem>>) src(%dma_wait3A_119 : memref<64xi32, #tpu.memory_space<hbm>>) dst(%dma_wait3A_117 : memref<64xi32, #tpu.memory_space<vmem>>)
    %dma_start3A_120 = arith.constant 0 : i32
    %dma_start3A_121 = arith.constant 0 : i32
    %dma_start3A_122 = arith.constant 0 : i32
    %dma_start3A_123 = arith.constant 0 : i32
    %dma_start3A_124 = tpu.memref_slice %arg7[%dma_start3A_122, %dma_start3A_123] : memref<256x128xf32, #tpu.memory_space<vmem>> -> memref<64x128xf32, #tpu.memory_space<vmem>>
    %dma_start3A_125 = arith.constant 0 : i32
    %dma_start3A_126 = tpu.memref_slice %arg6[%dma_start3A_120, %dma_start3A_125] : memref<4x64xi32, #tpu.memory_space<vmem>> -> memref<1x64xi32, #tpu.memory_space<vmem>>
    %dma_start3A_127 = tpu.memref_squeeze %dma_start3A_126 : memref<1x64xi32, #tpu.memory_space<vmem>> -> memref<64xi32, #tpu.memory_space<vmem>>
    %dma_start3A_128 = arith.constant 0 : i32
    %dma_start3A_129 = arith.constant 0 : i32
    %dma_start3A_130 = tpu.memref_slice %arg3[%dma_start3A_128, %dma_start3A_129] : memref<100000x128xf32, #tpu.memory_space<hbm>> -> memref<100000x128xf32, #tpu.memory_space<hbm>>
    %dma_start3A_131 = tpu.memref_slice %arg11[%dma_start3A_121] : memref<4x!tpu.dma_semaphore, #tpu.memory_space<semaphore_mem>> -> memref<1x!tpu.dma_semaphore, #tpu.memory_space<semaphore_mem>>
    %dma_start3A_132 = tpu.memref_squeeze %dma_start3A_131 : memref<1x!tpu.dma_semaphore, #tpu.memory_space<semaphore_mem>> -> memref<!tpu.dma_semaphore, #tpu.memory_space<semaphore_mem>>
    tpu.enqueue_indirect_dma source(%dma_start3A_130 : memref<100000x128xf32, #tpu.memory_space<hbm>>) target(%dma_start3A_124 : memref<64x128xf32, #tpu.memory_space<vmem>>) offsets(%dma_start3A_127 : memref<64xi32, #tpu.memory_space<vmem>>) semaphore(%dma_start3A_132 : memref<!tpu.dma_semaphore, #tpu.memory_space<semaphore_mem>>)
    %dma_wait3A_133 = arith.constant 1 : i32
    %dma_wait3A_134 = arith.constant 1 : i32
    %dma_wait3A_135 = arith.constant 0 : i32
    %dma_wait3A_136 = tpu.memref_slice %arg6[%dma_wait3A_133, %dma_wait3A_135] : memref<4x64xi32, #tpu.memory_space<vmem>> -> memref<1x64xi32, #tpu.memory_space<vmem>>
    %dma_wait3A_137 = tpu.memref_squeeze %dma_wait3A_136 : memref<1x64xi32, #tpu.memory_space<vmem>> -> memref<64xi32, #tpu.memory_space<vmem>>
    %dma_wait3A_138 = tpu.memref_slice %arg2[%select_n3A, %add3A_60] : memref<4x2048xi32, #tpu.memory_space<hbm>> -> memref<1x64xi32, #tpu.memory_space<hbm>>
    %dma_wait3A_139 = tpu.memref_squeeze %dma_wait3A_138 : memref<1x64xi32, #tpu.memory_space<hbm>> -> memref<64xi32, #tpu.memory_space<hbm>>
    %dma_wait3A_140 = tpu.memref_slice %arg10[%dma_wait3A_134] : memref<4x!tpu.dma_semaphore, #tpu.memory_space<semaphore_mem>> -> memref<1x!tpu.dma_semaphore, #tpu.memory_space<semaphore_mem>>
    %dma_wait3A_141 = tpu.memref_squeeze %dma_wait3A_140 : memref<1x!tpu.dma_semaphore, #tpu.memory_space<semaphore_mem>> -> memref<!tpu.dma_semaphore, #tpu.memory_space<semaphore_mem>>
    %dma_wait3A_142 = arith.constant 0 : i32
    %dma_wait3A_143 = tpu.memref_slice %arg6[%dma_wait3A_133, %dma_wait3A_142] : memref<4x64xi32, #tpu.memory_space<vmem>> -> memref<1x64xi32, #tpu.memory_space<vmem>>
    %dma_wait3A_144 = tpu.memref_squeeze %dma_wait3A_143 : memref<1x64xi32, #tpu.memory_space<vmem>> -> memref<64xi32, #tpu.memory_space<vmem>>
    %dma_wait3A_145 = tpu.memref_slice %arg2[%select_n3A, %add3A_60] : memref<4x2048xi32, #tpu.memory_space<hbm>> -> memref<1x64xi32, #tpu.memory_space<hbm>>
    %dma_wait3A_146 = tpu.memref_squeeze %dma_wait3A_145 : memref<1x64xi32, #tpu.memory_space<hbm>> -> memref<64xi32, #tpu.memory_space<hbm>>
    tpu.wait_dma2 semaphore(%dma_wait3A_141 : memref<!tpu.dma_semaphore, #tpu.memory_space<semaphore_mem>>) src(%dma_wait3A_146 : memref<64xi32, #tpu.memory_space<hbm>>) dst(%dma_wait3A_144 : memref<64xi32, #tpu.memory_space<vmem>>)
    %dma_start3A_147 = arith.constant 1 : i32
    %dma_start3A_148 = arith.constant 1 : i32
    %dma_start3A_149 = arith.constant 64 : i32
    %dma_start3A_150 = arith.constant 0 : i32
    %dma_start3A_151 = tpu.memref_slice %arg7[%dma_start3A_149, %dma_start3A_150] : memref<256x128xf32, #tpu.memory_space<vmem>> -> memref<64x128xf32, #tpu.memory_space<vmem>>
    %dma_start3A_152 = arith.constant 0 : i32
    %dma_start3A_153 = tpu.memref_slice %arg6[%dma_start3A_147, %dma_start3A_152] : memref<4x64xi32, #tpu.memory_space<vmem>> -> memref<1x64xi32, #tpu.memory_space<vmem>>
    %dma_start3A_154 = tpu.memref_squeeze %dma_start3A_153 : memref<1x64xi32, #tpu.memory_space<vmem>> -> memref<64xi32, #tpu.memory_space<vmem>>
    %dma_start3A_155 = arith.constant 0 : i32
    %dma_start3A_156 = arith.constant 0 : i32
    %dma_start3A_157 = tpu.memref_slice %arg3[%dma_start3A_155, %dma_start3A_156] : memref<100000x128xf32, #tpu.memory_space<hbm>> -> memref<100000x128xf32, #tpu.memory_space<hbm>>
    %dma_start3A_158 = tpu.memref_slice %arg11[%dma_start3A_148] : memref<4x!tpu.dma_semaphore, #tpu.memory_space<semaphore_mem>> -> memref<1x!tpu.dma_semaphore, #tpu.memory_space<semaphore_mem>>
    %dma_start3A_159 = tpu.memref_squeeze %dma_start3A_158 : memref<1x!tpu.dma_semaphore, #tpu.memory_space<semaphore_mem>> -> memref<!tpu.dma_semaphore, #tpu.memory_space<semaphore_mem>>
    tpu.enqueue_indirect_dma source(%dma_start3A_157 : memref<100000x128xf32, #tpu.memory_space<hbm>>) target(%dma_start3A_151 : memref<64x128xf32, #tpu.memory_space<vmem>>) offsets(%dma_start3A_154 : memref<64xi32, #tpu.memory_space<vmem>>) semaphore(%dma_start3A_159 : memref<!tpu.dma_semaphore, #tpu.memory_space<semaphore_mem>>)
    %dma_wait3A_160 = arith.constant 2 : i32
    %dma_wait3A_161 = arith.constant 2 : i32
    %dma_wait3A_162 = arith.constant 0 : i32
    %dma_wait3A_163 = tpu.memref_slice %arg6[%dma_wait3A_160, %dma_wait3A_162] : memref<4x64xi32, #tpu.memory_space<vmem>> -> memref<1x64xi32, #tpu.memory_space<vmem>>
    %dma_wait3A_164 = tpu.memref_squeeze %dma_wait3A_163 : memref<1x64xi32, #tpu.memory_space<vmem>> -> memref<64xi32, #tpu.memory_space<vmem>>
    %dma_wait3A_165 = tpu.memref_slice %arg2[%select_n3A, %add3A_76] : memref<4x2048xi32, #tpu.memory_space<hbm>> -> memref<1x64xi32, #tpu.memory_space<hbm>>
    %dma_wait3A_166 = tpu.memref_squeeze %dma_wait3A_165 : memref<1x64xi32, #tpu.memory_space<hbm>> -> memref<64xi32, #tpu.memory_space<hbm>>
    %dma_wait3A_167 = tpu.memref_slice %arg10[%dma_wait3A_161] : memref<4x!tpu.dma_semaphore, #tpu.memory_space<semaphore_mem>> -> memref<1x!tpu.dma_semaphore, #tpu.memory_space<semaphore_mem>>
    %dma_wait3A_168 = tpu.memref_squeeze %dma_wait3A_167 : memref<1x!tpu.dma_semaphore, #tpu.memory_space<semaphore_mem>> -> memref<!tpu.dma_semaphore, #tpu.memory_space<semaphore_mem>>
    %dma_wait3A_169 = arith.constant 0 : i32
    %dma_wait3A_170 = tpu.memref_slice %arg6[%dma_wait3A_160, %dma_wait3A_169] : memref<4x64xi32, #tpu.memory_space<vmem>> -> memref<1x64xi32, #tpu.memory_space<vmem>>
    %dma_wait3A_171 = tpu.memref_squeeze %dma_wait3A_170 : memref<1x64xi32, #tpu.memory_space<vmem>> -> memref<64xi32, #tpu.memory_space<vmem>>
    %dma_wait3A_172 = tpu.memref_slice %arg2[%select_n3A, %add3A_76] : memref<4x2048xi32, #tpu.memory_space<hbm>> -> memref<1x64xi32, #tpu.memory_space<hbm>>
    %dma_wait3A_173 = tpu.memref_squeeze %dma_wait3A_172 : memref<1x64xi32, #tpu.memory_space<hbm>> -> memref<64xi32, #tpu.memory_space<hbm>>
    tpu.wait_dma2 semaphore(%dma_wait3A_168 : memref<!tpu.dma_semaphore, #tpu.memory_space<semaphore_mem>>) src(%dma_wait3A_173 : memref<64xi32, #tpu.memory_space<hbm>>) dst(%dma_wait3A_171 : memref<64xi32, #tpu.memory_space<vmem>>)
    %dma_start3A_174 = arith.constant 2 : i32
    %dma_start3A_175 = arith.constant 2 : i32
    %dma_start3A_176 = arith.constant 128 : i32
    %dma_start3A_177 = arith.constant 0 : i32
    %dma_start3A_178 = tpu.memref_slice %arg7[%dma_start3A_176, %dma_start3A_177] : memref<256x128xf32, #tpu.memory_space<vmem>> -> memref<64x128xf32, #tpu.memory_space<vmem>>
    %dma_start3A_179 = arith.constant 0 : i32
    %dma_start3A_180 = tpu.memref_slice %arg6[%dma_start3A_174, %dma_start3A_179] : memref<4x64xi32, #tpu.memory_space<vmem>> -> memref<1x64xi32, #tpu.memory_space<vmem>>
    %dma_start3A_181 = tpu.memref_squeeze %dma_start3A_180 : memref<1x64xi32, #tpu.memory_space<vmem>> -> memref<64xi32, #tpu.memory_space<vmem>>
    %dma_start3A_182 = arith.constant 0 : i32
    %dma_start3A_183 = arith.constant 0 : i32
    %dma_start3A_184 = tpu.memref_slice %arg3[%dma_start3A_182, %dma_start3A_183] : memref<100000x128xf32, #tpu.memory_space<hbm>> -> memref<100000x128xf32, #tpu.memory_space<hbm>>
    %dma_start3A_185 = tpu.memref_slice %arg11[%dma_start3A_175] : memref<4x!tpu.dma_semaphore, #tpu.memory_space<semaphore_mem>> -> memref<1x!tpu.dma_semaphore, #tpu.memory_space<semaphore_mem>>
    %dma_start3A_186 = tpu.memref_squeeze %dma_start3A_185 : memref<1x!tpu.dma_semaphore, #tpu.memory_space<semaphore_mem>> -> memref<!tpu.dma_semaphore, #tpu.memory_space<semaphore_mem>>
    tpu.enqueue_indirect_dma source(%dma_start3A_184 : memref<100000x128xf32, #tpu.memory_space<hbm>>) target(%dma_start3A_178 : memref<64x128xf32, #tpu.memory_space<vmem>>) offsets(%dma_start3A_181 : memref<64xi32, #tpu.memory_space<vmem>>) semaphore(%dma_start3A_186 : memref<!tpu.dma_semaphore, #tpu.memory_space<semaphore_mem>>)
    %dma_wait3A_187 = arith.constant 3 : i32
    %dma_wait3A_188 = arith.constant 3 : i32
    %dma_wait3A_189 = arith.constant 0 : i32
    %dma_wait3A_190 = tpu.memref_slice %arg6[%dma_wait3A_187, %dma_wait3A_189] : memref<4x64xi32, #tpu.memory_space<vmem>> -> memref<1x64xi32, #tpu.memory_space<vmem>>
    %dma_wait3A_191 = tpu.memref_squeeze %dma_wait3A_190 : memref<1x64xi32, #tpu.memory_space<vmem>> -> memref<64xi32, #tpu.memory_space<vmem>>
    %dma_wait3A_192 = tpu.memref_slice %arg2[%select_n3A, %add3A_92] : memref<4x2048xi32, #tpu.memory_space<hbm>> -> memref<1x64xi32, #tpu.memory_space<hbm>>
    %dma_wait3A_193 = tpu.memref_squeeze %dma_wait3A_192 : memref<1x64xi32, #tpu.memory_space<hbm>> -> memref<64xi32, #tpu.memory_space<hbm>>
    %dma_wait3A_194 = tpu.memref_slice %arg10[%dma_wait3A_188] : memref<4x!tpu.dma_semaphore, #tpu.memory_space<semaphore_mem>> -> memref<1x!tpu.dma_semaphore, #tpu.memory_space<semaphore_mem>>
    %dma_wait3A_195 = tpu.memref_squeeze %dma_wait3A_194 : memref<1x!tpu.dma_semaphore, #tpu.memory_space<semaphore_mem>> -> memref<!tpu.dma_semaphore, #tpu.memory_space<semaphore_mem>>
    %dma_wait3A_196 = arith.constant 0 : i32
    %dma_wait3A_197 = tpu.memref_slice %arg6[%dma_wait3A_187, %dma_wait3A_196] : memref<4x64xi32, #tpu.memory_space<vmem>> -> memref<1x64xi32, #tpu.memory_space<vmem>>
    %dma_wait3A_198 = tpu.memref_squeeze %dma_wait3A_197 : memref<1x64xi32, #tpu.memory_space<vmem>> -> memref<64xi32, #tpu.memory_space<vmem>>
    %dma_wait3A_199 = tpu.memref_slice %arg2[%select_n3A, %add3A_92] : memref<4x2048xi32, #tpu.memory_space<hbm>> -> memref<1x64xi32, #tpu.memory_space<hbm>>
    %dma_wait3A_200 = tpu.memref_squeeze %dma_wait3A_199 : memref<1x64xi32, #tpu.memory_space<hbm>> -> memref<64xi32, #tpu.memory_space<hbm>>
    tpu.wait_dma2 semaphore(%dma_wait3A_195 : memref<!tpu.dma_semaphore, #tpu.memory_space<semaphore_mem>>) src(%dma_wait3A_200 : memref<64xi32, #tpu.memory_space<hbm>>) dst(%dma_wait3A_198 : memref<64xi32, #tpu.memory_space<vmem>>)
    %dma_start3A_201 = arith.constant 3 : i32
    %dma_start3A_202 = arith.constant 3 : i32
    %dma_start3A_203 = arith.constant 192 : i32
    %dma_start3A_204 = arith.constant 0 : i32
    %dma_start3A_205 = tpu.memref_slice %arg7[%dma_start3A_203, %dma_start3A_204] : memref<256x128xf32, #tpu.memory_space<vmem>> -> memref<64x128xf32, #tpu.memory_space<vmem>>
    %dma_start3A_206 = arith.constant 0 : i32
    %dma_start3A_207 = tpu.memref_slice %arg6[%dma_start3A_201, %dma_start3A_206] : memref<4x64xi32, #tpu.memory_space<vmem>> -> memref<1x64xi32, #tpu.memory_space<vmem>>
    %dma_start3A_208 = tpu.memref_squeeze %dma_start3A_207 : memref<1x64xi32, #tpu.memory_space<vmem>> -> memref<64xi32, #tpu.memory_space<vmem>>
    %dma_start3A_209 = arith.constant 0 : i32
    %dma_start3A_210 = arith.constant 0 : i32
    %dma_start3A_211 = tpu.memref_slice %arg3[%dma_start3A_209, %dma_start3A_210] : memref<100000x128xf32, #tpu.memory_space<hbm>> -> memref<100000x128xf32, #tpu.memory_space<hbm>>
    %dma_start3A_212 = tpu.memref_slice %arg11[%dma_start3A_202] : memref<4x!tpu.dma_semaphore, #tpu.memory_space<semaphore_mem>> -> memref<1x!tpu.dma_semaphore, #tpu.memory_space<semaphore_mem>>
    %dma_start3A_213 = tpu.memref_squeeze %dma_start3A_212 : memref<1x!tpu.dma_semaphore, #tpu.memory_space<semaphore_mem>> -> memref<!tpu.dma_semaphore, #tpu.memory_space<semaphore_mem>>
    tpu.enqueue_indirect_dma source(%dma_start3A_211 : memref<100000x128xf32, #tpu.memory_space<hbm>>) target(%dma_start3A_205 : memref<64x128xf32, #tpu.memory_space<vmem>>) offsets(%dma_start3A_208 : memref<64xi32, #tpu.memory_space<vmem>>) semaphore(%dma_start3A_213 : memref<!tpu.dma_semaphore, #tpu.memory_space<semaphore_mem>>)
    %dma_wait3A_214 = arith.constant 0 : i32
    %dma_wait3A_215 = tpu.memref_slice %arg9[%mul3A_39, %dma_wait3A_214] : memref<1024x128xf32, #tpu.memory_space<vmem_shared>> -> memref<64x128xf32, #tpu.memory_space<vmem_shared>>
    %dma_wait3A_216 = arith.constant 0 : i32
    %dma_wait3A_217 = tpu.memref_slice %arg4[%add3A_37, %dma_wait3A_216] : memref<2048x128xf32, #tpu.memory_space<hbm>> -> memref<64x128xf32, #tpu.memory_space<hbm>>
    tpu.wait_dma2 semaphore(%arg14 : memref<!tpu.dma_semaphore, #tpu.memory_space<semaphore_mem>>) src(%dma_wait3A_217 : memref<64x128xf32, #tpu.memory_space<hbm>>) dst(%dma_wait3A_215 : memref<64x128xf32, #tpu.memory_space<vmem_shared>>)
    %barrier3A = arith.constant 0 : index
    tpu.barrier barrier_id(%barrier3A)
    %add3A_218 = arith.constant 0 : i32
    %add3A_219 = arith.addi %mul3A_29, %add3A_218 : i32
    %dma_start3A_220 = arith.constant 0 : i32
    %dma_start3A_221 = arith.constant 0 : i32
    %dma_start3A_222 = arith.constant 0 : i32
    %dma_start3A_223 = tpu.memref_slice %arg8[%dma_start3A_221, %dma_start3A_222] : memref<256x128xf32, #tpu.memory_space<vmem>> -> memref<64x128xf32, #tpu.memory_space<vmem>>
    %dma_start3A_224 = arith.constant 0 : i32
    %dma_start3A_225 = tpu.memref_slice %arg9[%add3A_219, %dma_start3A_224] : memref<1024x128xf32, #tpu.memory_space<vmem_shared>> -> memref<64x128xf32, #tpu.memory_space<vmem_shared>>
    %dma_start3A_226 = tpu.memref_slice %arg12[%dma_start3A_220] : memref<4x!tpu.dma_semaphore, #tpu.memory_space<semaphore_mem>> -> memref<1x!tpu.dma_semaphore, #tpu.memory_space<semaphore_mem>>
    %dma_start3A_227 = tpu.memref_squeeze %dma_start3A_226 : memref<1x!tpu.dma_semaphore, #tpu.memory_space<semaphore_mem>> -> memref<!tpu.dma_semaphore, #tpu.memory_space<semaphore_mem>>
    %dma_start3A_228 = arith.constant 0 : i32
    %dma_start3A_229 = arith.constant 0 : i32
    %dma_start3A_230 = tpu.memref_slice %arg8[%dma_start3A_228, %dma_start3A_229] : memref<256x128xf32, #tpu.memory_space<vmem>> -> memref<64x128xf32, #tpu.memory_space<vmem>>
    %dma_start3A_231 = arith.constant 0 : i32
    %dma_start3A_232 = tpu.memref_slice %arg9[%add3A_219, %dma_start3A_231] : memref<1024x128xf32, #tpu.memory_space<vmem_shared>> -> memref<64x128xf32, #tpu.memory_space<vmem_shared>>
    tpu.enqueue_dma source(%dma_start3A_232 : memref<64x128xf32, #tpu.memory_space<vmem_shared>>) target(%dma_start3A_230 : memref<64x128xf32, #tpu.memory_space<vmem>>) target_semaphore(%dma_start3A_227 : memref<!tpu.dma_semaphore, #tpu.memory_space<semaphore_mem>>)
    %add3A_233 = arith.constant 64 : i32
    %add3A_234 = arith.addi %mul3A_29, %add3A_233 : i32
    %dma_start3A_235 = arith.constant 1 : i32
    %dma_start3A_236 = arith.constant 64 : i32
    %dma_start3A_237 = arith.constant 0 : i32
    %dma_start3A_238 = tpu.memref_slice %arg8[%dma_start3A_236, %dma_start3A_237] : memref<256x128xf32, #tpu.memory_space<vmem>> -> memref<64x128xf32, #tpu.memory_space<vmem>>
    %dma_start3A_239 = arith.constant 0 : i32
    %dma_start3A_240 = tpu.memref_slice %arg9[%add3A_234, %dma_start3A_239] : memref<1024x128xf32, #tpu.memory_space<vmem_shared>> -> memref<64x128xf32, #tpu.memory_space<vmem_shared>>
    %dma_start3A_241 = tpu.memref_slice %arg12[%dma_start3A_235] : memref<4x!tpu.dma_semaphore, #tpu.memory_space<semaphore_mem>> -> memref<1x!tpu.dma_semaphore, #tpu.memory_space<semaphore_mem>>
    %dma_start3A_242 = tpu.memref_squeeze %dma_start3A_241 : memref<1x!tpu.dma_semaphore, #tpu.memory_space<semaphore_mem>> -> memref<!tpu.dma_semaphore, #tpu.memory_space<semaphore_mem>>
    %dma_start3A_243 = arith.constant 64 : i32
    %dma_start3A_244 = arith.constant 0 : i32
    %dma_start3A_245 = tpu.memref_slice %arg8[%dma_start3A_243, %dma_start3A_244] : memref<256x128xf32, #tpu.memory_space<vmem>> -> memref<64x128xf32, #tpu.memory_space<vmem>>
    %dma_start3A_246 = arith.constant 0 : i32
    %dma_start3A_247 = tpu.memref_slice %arg9[%add3A_234, %dma_start3A_246] : memref<1024x128xf32, #tpu.memory_space<vmem_shared>> -> memref<64x128xf32, #tpu.memory_space<vmem_shared>>
    tpu.enqueue_dma source(%dma_start3A_247 : memref<64x128xf32, #tpu.memory_space<vmem_shared>>) target(%dma_start3A_245 : memref<64x128xf32, #tpu.memory_space<vmem>>) target_semaphore(%dma_start3A_242 : memref<!tpu.dma_semaphore, #tpu.memory_space<semaphore_mem>>)
    %add3A_248 = arith.constant 128 : i32
    %add3A_249 = arith.addi %mul3A_29, %add3A_248 : i32
    %dma_start3A_250 = arith.constant 2 : i32
    %dma_start3A_251 = arith.constant 128 : i32
    %dma_start3A_252 = arith.constant 0 : i32
    %dma_start3A_253 = tpu.memref_slice %arg8[%dma_start3A_251, %dma_start3A_252] : memref<256x128xf32, #tpu.memory_space<vmem>> -> memref<64x128xf32, #tpu.memory_space<vmem>>
    %dma_start3A_254 = arith.constant 0 : i32
    %dma_start3A_255 = tpu.memref_slice %arg9[%add3A_249, %dma_start3A_254] : memref<1024x128xf32, #tpu.memory_space<vmem_shared>> -> memref<64x128xf32, #tpu.memory_space<vmem_shared>>
    %dma_start3A_256 = tpu.memref_slice %arg12[%dma_start3A_250] : memref<4x!tpu.dma_semaphore, #tpu.memory_space<semaphore_mem>> -> memref<1x!tpu.dma_semaphore, #tpu.memory_space<semaphore_mem>>
    %dma_start3A_257 = tpu.memref_squeeze %dma_start3A_256 : memref<1x!tpu.dma_semaphore, #tpu.memory_space<semaphore_mem>> -> memref<!tpu.dma_semaphore, #tpu.memory_space<semaphore_mem>>
    %dma_start3A_258 = arith.constant 128 : i32
    %dma_start3A_259 = arith.constant 0 : i32
    %dma_start3A_260 = tpu.memref_slice %arg8[%dma_start3A_258, %dma_start3A_259] : memref<256x128xf32, #tpu.memory_space<vmem>> -> memref<64x128xf32, #tpu.memory_space<vmem>>
    %dma_start3A_261 = arith.constant 0 : i32
    %dma_start3A_262 = tpu.memref_slice %arg9[%add3A_249, %dma_start3A_261] : memref<1024x128xf32, #tpu.memory_space<vmem_shared>> -> memref<64x128xf32, #tpu.memory_space<vmem_shared>>
    tpu.enqueue_dma source(%dma_start3A_262 : memref<64x128xf32, #tpu.memory_space<vmem_shared>>) target(%dma_start3A_260 : memref<64x128xf32, #tpu.memory_space<vmem>>) target_semaphore(%dma_start3A_257 : memref<!tpu.dma_semaphore, #tpu.memory_space<semaphore_mem>>)
    %add3A_263 = arith.constant 192 : i32
    %add3A_264 = arith.addi %mul3A_29, %add3A_263 : i32
    %dma_start3A_265 = arith.constant 3 : i32
    %dma_start3A_266 = arith.constant 192 : i32
    %dma_start3A_267 = arith.constant 0 : i32
    %dma_start3A_268 = tpu.memref_slice %arg8[%dma_start3A_266, %dma_start3A_267] : memref<256x128xf32, #tpu.memory_space<vmem>> -> memref<64x128xf32, #tpu.memory_space<vmem>>
    %dma_start3A_269 = arith.constant 0 : i32
    %dma_start3A_270 = tpu.memref_slice %arg9[%add3A_264, %dma_start3A_269] : memref<1024x128xf32, #tpu.memory_space<vmem_shared>> -> memref<64x128xf32, #tpu.memory_space<vmem_shared>>
    %dma_start3A_271 = tpu.memref_slice %arg12[%dma_start3A_265] : memref<4x!tpu.dma_semaphore, #tpu.memory_space<semaphore_mem>> -> memref<1x!tpu.dma_semaphore, #tpu.memory_space<semaphore_mem>>
    %dma_start3A_272 = tpu.memref_squeeze %dma_start3A_271 : memref<1x!tpu.dma_semaphore, #tpu.memory_space<semaphore_mem>> -> memref<!tpu.dma_semaphore, #tpu.memory_space<semaphore_mem>>
    %dma_start3A_273 = arith.constant 192 : i32
    %dma_start3A_274 = arith.constant 0 : i32
    %dma_start3A_275 = tpu.memref_slice %arg8[%dma_start3A_273, %dma_start3A_274] : memref<256x128xf32, #tpu.memory_space<vmem>> -> memref<64x128xf32, #tpu.memory_space<vmem>>
    %dma_start3A_276 = arith.constant 0 : i32
    %dma_start3A_277 = tpu.memref_slice %arg9[%add3A_264, %dma_start3A_276] : memref<1024x128xf32, #tpu.memory_space<vmem_shared>> -> memref<64x128xf32, #tpu.memory_space<vmem_shared>>
    tpu.enqueue_dma source(%dma_start3A_277 : memref<64x128xf32, #tpu.memory_space<vmem_shared>>) target(%dma_start3A_275 : memref<64x128xf32, #tpu.memory_space<vmem>>) target_semaphore(%dma_start3A_272 : memref<!tpu.dma_semaphore, #tpu.memory_space<semaphore_mem>>)
    %dma_wait3A_278 = arith.constant 0 : i32
    %dma_wait3A_279 = arith.constant 0 : i32
    %dma_wait3A_280 = arith.constant 0 : i32
    %dma_wait3A_281 = arith.constant 0 : i32
    %dma_wait3A_282 = tpu.memref_slice %arg7[%dma_wait3A_280, %dma_wait3A_281] : memref<256x128xf32, #tpu.memory_space<vmem>> -> memref<64x128xf32, #tpu.memory_space<vmem>>
    %dma_wait3A_283 = arith.constant 0 : i32
    %dma_wait3A_284 = tpu.memref_slice %arg6[%dma_wait3A_278, %dma_wait3A_283] : memref<4x64xi32, #tpu.memory_space<vmem>> -> memref<1x64xi32, #tpu.memory_space<vmem>>
    %dma_wait3A_285 = tpu.memref_squeeze %dma_wait3A_284 : memref<1x64xi32, #tpu.memory_space<vmem>> -> memref<64xi32, #tpu.memory_space<vmem>>
    %dma_wait3A_286 = arith.constant 0 : i32
    %dma_wait3A_287 = arith.constant 0 : i32
    %dma_wait3A_288 = tpu.memref_slice %arg3[%dma_wait3A_286, %dma_wait3A_287] : memref<100000x128xf32, #tpu.memory_space<hbm>> -> memref<100000x128xf32, #tpu.memory_space<hbm>>
    %dma_wait3A_289 = tpu.memref_slice %arg11[%dma_wait3A_279] : memref<4x!tpu.dma_semaphore, #tpu.memory_space<semaphore_mem>> -> memref<1x!tpu.dma_semaphore, #tpu.memory_space<semaphore_mem>>
    %dma_wait3A_290 = tpu.memref_squeeze %dma_wait3A_289 : memref<1x!tpu.dma_semaphore, #tpu.memory_space<semaphore_mem>> -> memref<!tpu.dma_semaphore, #tpu.memory_space<semaphore_mem>>
    tpu.wait_indirect_dma semaphore(%dma_wait3A_290 : memref<!tpu.dma_semaphore, #tpu.memory_space<semaphore_mem>>) src(%dma_wait3A_288 : memref<100000x128xf32, #tpu.memory_space<hbm>>) dst(%dma_wait3A_282 : memref<64x128xf32, #tpu.memory_space<vmem>>)
    %dma_wait3A_291 = arith.constant 0 : i32
    %dma_wait3A_292 = arith.constant 0 : i32
    %dma_wait3A_293 = arith.constant 0 : i32
    %dma_wait3A_294 = tpu.memref_slice %arg8[%dma_wait3A_292, %dma_wait3A_293] : memref<256x128xf32, #tpu.memory_space<vmem>> -> memref<64x128xf32, #tpu.memory_space<vmem>>
    %dma_wait3A_295 = arith.constant 0 : i32
    %dma_wait3A_296 = tpu.memref_slice %arg9[%add3A_219, %dma_wait3A_295] : memref<1024x128xf32, #tpu.memory_space<vmem_shared>> -> memref<64x128xf32, #tpu.memory_space<vmem_shared>>
    %dma_wait3A_297 = tpu.memref_slice %arg12[%dma_wait3A_291] : memref<4x!tpu.dma_semaphore, #tpu.memory_space<semaphore_mem>> -> memref<1x!tpu.dma_semaphore, #tpu.memory_space<semaphore_mem>>
    %dma_wait3A_298 = tpu.memref_squeeze %dma_wait3A_297 : memref<1x!tpu.dma_semaphore, #tpu.memory_space<semaphore_mem>> -> memref<!tpu.dma_semaphore, #tpu.memory_space<semaphore_mem>>
    %dma_wait3A_299 = arith.constant 0 : i32
    %dma_wait3A_300 = arith.constant 0 : i32
    %dma_wait3A_301 = tpu.memref_slice %arg8[%dma_wait3A_299, %dma_wait3A_300] : memref<256x128xf32, #tpu.memory_space<vmem>> -> memref<64x128xf32, #tpu.memory_space<vmem>>
    %dma_wait3A_302 = arith.constant 0 : i32
    %dma_wait3A_303 = tpu.memref_slice %arg9[%add3A_219, %dma_wait3A_302] : memref<1024x128xf32, #tpu.memory_space<vmem_shared>> -> memref<64x128xf32, #tpu.memory_space<vmem_shared>>
    tpu.wait_dma2 semaphore(%dma_wait3A_298 : memref<!tpu.dma_semaphore, #tpu.memory_space<semaphore_mem>>) src(%dma_wait3A_303 : memref<64x128xf32, #tpu.memory_space<vmem_shared>>) dst(%dma_wait3A_301 : memref<64x128xf32, #tpu.memory_space<vmem>>)
    %scan3A = arith.constant 0 : i32
    %scan3A_304 = arith.constant 0 : i32
    %scan3A_305 = arith.constant 64 : i32
    %scan3A_306 = arith.addi %scan3A_304, %scan3A_305 : i32
    %scan3A_307 = arith.constant 2 : i32
    scf.for %scan3A_581 = %scan3A_304 to %scan3A_306 step %scan3A_307  : i32 {
      %get3A = arith.index_cast %scan3A_581 : i32 to index
      %get3A_582 = arith.constant 0 : index
      %get3A_583 = tpu.vector_load %arg7[%get3A, %get3A_582] {strides = array<i32>} : memref<256x128xf32, #tpu.memory_space<vmem>>, vector<1x16xf32>,
      %get3A_584 = vector.shape_cast %get3A_583 : vector<1x16xf32> to vector<16xf32>
      %mul3A_585 = arith.constant 11.3137083 : f32
      %mul3A_586 = vector.broadcast %mul3A_585 : f32 to vector<16xf32>
      %mul3A_587 = arith.mulf %get3A_584, %mul3A_586 : vector<16xf32>
      %swap3A = arith.index_cast %scan3A_581 : i32 to index
      %swap3A_588 = arith.constant 0 : index
      %swap3A_589 = tpu.vector_load %arg8[%swap3A, %swap3A_588] {strides = array<i32>} : memref<256x128xf32, #tpu.memory_space<vmem>>, vector<1x16xf32>,
      %swap3A_590 = vector.shape_cast %swap3A_589 : vector<1x16xf32> to vector<16xf32>
      %swap3A_591 = vector.shape_cast %mul3A_587 : vector<16xf32> to vector<1x16xf32>
      tpu.vector_store %arg8[%swap3A, %swap3A_588], %swap3A_591 {add = true, strides = array<i32>} : memref<256x128xf32, #tpu.memory_space<vmem>>, vector<1x16xf32>,
      %get3A_592 = arith.index_cast %scan3A_581 : i32 to index
      %get3A_593 = arith.constant 16 : index
      %get3A_594 = tpu.vector_load %arg7[%get3A_592, %get3A_593] {strides = array<i32>} : memref<256x128xf32, #tpu.memory_space<vmem>>, vector<1x16xf32>,
      %get3A_595 = vector.shape_cast %get3A_594 : vector<1x16xf32> to vector<16xf32>
      %mul3A_596 = arith.constant 11.3137083 : f32
      %mul3A_597 = vector.broadcast %mul3A_596 : f32 to vector<16xf32>
      %mul3A_598 = arith.mulf %get3A_595, %mul3A_597 : vector<16xf32>
      %swap3A_599 = arith.index_cast %scan3A_581 : i32 to index
      %swap3A_600 = arith.constant 16 : index
      %swap3A_601 = tpu.vector_load %arg8[%swap3A_599, %swap3A_600] {strides = array<i32>} : memref<256x128xf32, #tpu.memory_space<vmem>>, vector<1x16xf32>,
      %swap3A_602 = vector.shape_cast %swap3A_601 : vector<1x16xf32> to vector<16xf32>
      %swap3A_603 = vector.shape_cast %mul3A_598 : vector<16xf32> to vector<1x16xf32>
      tpu.vector_store %arg8[%swap3A_599, %swap3A_600], %swap3A_603 {add = true, strides = array<i32>} : memref<256x128xf32, #tpu.memory_space<vmem>>, vector<1x16xf32>,
      %get3A_604 = arith.index_cast %scan3A_581 : i32 to index
      %get3A_605 = arith.constant 32 : index
      %get3A_606 = tpu.vector_load %arg7[%get3A_604, %get3A_605] {strides = array<i32>} : memref<256x128xf32, #tpu.memory_space<vmem>>, vector<1x16xf32>,
      %get3A_607 = vector.shape_cast %get3A_606 : vector<1x16xf32> to vector<16xf32>
      %mul3A_608 = arith.constant 11.3137083 : f32
      %mul3A_609 = vector.broadcast %mul3A_608 : f32 to vector<16xf32>
      %mul3A_610 = arith.mulf %get3A_607, %mul3A_609 : vector<16xf32>
      %swap3A_611 = arith.index_cast %scan3A_581 : i32 to index
      %swap3A_612 = arith.constant 32 : index
      %swap3A_613 = tpu.vector_load %arg8[%swap3A_611, %swap3A_612] {strides = array<i32>} : memref<256x128xf32, #tpu.memory_space<vmem>>, vector<1x16xf32>,
      %swap3A_614 = vector.shape_cast %swap3A_613 : vector<1x16xf32> to vector<16xf32>
      %swap3A_615 = vector.shape_cast %mul3A_610 : vector<16xf32> to vector<1x16xf32>
      tpu.vector_store %arg8[%swap3A_611, %swap3A_612], %swap3A_615 {add = true, strides = array<i32>} : memref<256x128xf32, #tpu.memory_space<vmem>>, vector<1x16xf32>,
      %get3A_616 = arith.index_cast %scan3A_581 : i32 to index
      %get3A_617 = arith.constant 48 : index
      %get3A_618 = tpu.vector_load %arg7[%get3A_616, %get3A_617] {strides = array<i32>} : memref<256x128xf32, #tpu.memory_space<vmem>>, vector<1x16xf32>,
      %get3A_619 = vector.shape_cast %get3A_618 : vector<1x16xf32> to vector<16xf32>
      %mul3A_620 = arith.constant 11.3137083 : f32
      %mul3A_621 = vector.broadcast %mul3A_620 : f32 to vector<16xf32>
      %mul3A_622 = arith.mulf %get3A_619, %mul3A_621 : vector<16xf32>
      %swap3A_623 = arith.index_cast %scan3A_581 : i32 to index
      %swap3A_624 = arith.constant 48 : index
      %swap3A_625 = tpu.vector_load %arg8[%swap3A_623, %swap3A_624] {strides = array<i32>} : memref<256x128xf32, #tpu.memory_space<vmem>>, vector<1x16xf32>,
      %swap3A_626 = vector.shape_cast %swap3A_625 : vector<1x16xf32> to vector<16xf32>
      %swap3A_627 = vector.shape_cast %mul3A_622 : vector<16xf32> to vector<1x16xf32>
      tpu.vector_store %arg8[%swap3A_623, %swap3A_624], %swap3A_627 {add = true, strides = array<i32>} : memref<256x128xf32, #tpu.memory_space<vmem>>, vector<1x16xf32>,
      %get3A_628 = arith.index_cast %scan3A_581 : i32 to index
      %get3A_629 = arith.constant 64 : index
      %get3A_630 = tpu.vector_load %arg7[%get3A_628, %get3A_629] {strides = array<i32>} : memref<256x128xf32, #tpu.memory_space<vmem>>, vector<1x16xf32>,
      %get3A_631 = vector.shape_cast %get3A_630 : vector<1x16xf32> to vector<16xf32>
      %mul3A_632 = arith.constant 11.3137083 : f32
      %mul3A_633 = vector.broadcast %mul3A_632 : f32 to vector<16xf32>
      %mul3A_634 = arith.mulf %get3A_631, %mul3A_633 : vector<16xf32>
      %swap3A_635 = arith.index_cast %scan3A_581 : i32 to index
      %swap3A_636 = arith.constant 64 : index
      %swap3A_637 = tpu.vector_load %arg8[%swap3A_635, %swap3A_636] {strides = array<i32>} : memref<256x128xf32, #tpu.memory_space<vmem>>, vector<1x16xf32>,
      %swap3A_638 = vector.shape_cast %swap3A_637 : vector<1x16xf32> to vector<16xf32>
      %swap3A_639 = vector.shape_cast %mul3A_634 : vector<16xf32> to vector<1x16xf32>
      tpu.vector_store %arg8[%swap3A_635, %swap3A_636], %swap3A_639 {add = true, strides = array<i32>} : memref<256x128xf32, #tpu.memory_space<vmem>>, vector<1x16xf32>,
      %get3A_640 = arith.index_cast %scan3A_581 : i32 to index
      %get3A_641 = arith.constant 80 : index
      %get3A_642 = tpu.vector_load %arg7[%get3A_640, %get3A_641] {strides = array<i32>} : memref<256x128xf32, #tpu.memory_space<vmem>>, vector<1x16xf32>,
      %get3A_643 = vector.shape_cast %get3A_642 : vector<1x16xf32> to vector<16xf32>
      %mul3A_644 = arith.constant 11.3137083 : f32
      %mul3A_645 = vector.broadcast %mul3A_644 : f32 to vector<16xf32>
      %mul3A_646 = arith.mulf %get3A_643, %mul3A_645 : vector<16xf32>
      %swap3A_647 = arith.index_cast %scan3A_581 : i32 to index
      %swap3A_648 = arith.constant 80 : index
      %swap3A_649 = tpu.vector_load %arg8[%swap3A_647, %swap3A_648] {strides = array<i32>} : memref<256x128xf32, #tpu.memory_space<vmem>>, vector<1x16xf32>,
      %swap3A_650 = vector.shape_cast %swap3A_649 : vector<1x16xf32> to vector<16xf32>
      %swap3A_651 = vector.shape_cast %mul3A_646 : vector<16xf32> to vector<1x16xf32>
      tpu.vector_store %arg8[%swap3A_647, %swap3A_648], %swap3A_651 {add = true, strides = array<i32>} : memref<256x128xf32, #tpu.memory_space<vmem>>, vector<1x16xf32>,
      %get3A_652 = arith.index_cast %scan3A_581 : i32 to index
      %get3A_653 = arith.constant 96 : index
      %get3A_654 = tpu.vector_load %arg7[%get3A_652, %get3A_653] {strides = array<i32>} : memref<256x128xf32, #tpu.memory_space<vmem>>, vector<1x16xf32>,
      %get3A_655 = vector.shape_cast %get3A_654 : vector<1x16xf32> to vector<16xf32>
      %mul3A_656 = arith.constant 11.3137083 : f32
      %mul3A_657 = vector.broadcast %mul3A_656 : f32 to vector<16xf32>
      %mul3A_658 = arith.mulf %get3A_655, %mul3A_657 : vector<16xf32>
      %swap3A_659 = arith.index_cast %scan3A_581 : i32 to index
      %swap3A_660 = arith.constant 96 : index
      %swap3A_661 = tpu.vector_load %arg8[%swap3A_659, %swap3A_660] {strides = array<i32>} : memref<256x128xf32, #tpu.memory_space<vmem>>, vector<1x16xf32>,
      %swap3A_662 = vector.shape_cast %swap3A_661 : vector<1x16xf32> to vector<16xf32>
      %swap3A_663 = vector.shape_cast %mul3A_658 : vector<16xf32> to vector<1x16xf32>
      tpu.vector_store %arg8[%swap3A_659, %swap3A_660], %swap3A_663 {add = true, strides = array<i32>} : memref<256x128xf32, #tpu.memory_space<vmem>>, vector<1x16xf32>,
      %get3A_664 = arith.index_cast %scan3A_581 : i32 to index
      %get3A_665 = arith.constant 112 : index
      %get3A_666 = tpu.vector_load %arg7[%get3A_664, %get3A_665] {strides = array<i32>} : memref<256x128xf32, #tpu.memory_space<vmem>>, vector<1x16xf32>,
      %get3A_667 = vector.shape_cast %get3A_666 : vector<1x16xf32> to vector<16xf32>
      %mul3A_668 = arith.constant 11.3137083 : f32
      %mul3A_669 = vector.broadcast %mul3A_668 : f32 to vector<16xf32>
      %mul3A_670 = arith.mulf %get3A_667, %mul3A_669 : vector<16xf32>
      %swap3A_671 = arith.index_cast %scan3A_581 : i32 to index
      %swap3A_672 = arith.constant 112 : index
      %swap3A_673 = tpu.vector_load %arg8[%swap3A_671, %swap3A_672] {strides = array<i32>} : memref<256x128xf32, #tpu.memory_space<vmem>>, vector<1x16xf32>,
      %swap3A_674 = vector.shape_cast %swap3A_673 : vector<1x16xf32> to vector<16xf32>
      %swap3A_675 = vector.shape_cast %mul3A_670 : vector<16xf32> to vector<1x16xf32>
      tpu.vector_store %arg8[%swap3A_671, %swap3A_672], %swap3A_675 {add = true, strides = array<i32>} : memref<256x128xf32, #tpu.memory_space<vmem>>, vector<1x16xf32>,
      %scan3A_676 = arith.constant 1 : i32
      %scan3A_677 = arith.addi %scan3A_581, %scan3A_676 : i32
      %get3A_678 = arith.index_cast %scan3A_677 : i32 to index
      %get3A_679 = arith.constant 0 : index
      %get3A_680 = tpu.vector_load %arg7[%get3A_678, %get3A_679] {strides = array<i32>} : memref<256x128xf32, #tpu.memory_space<vmem>>, vector<1x16xf32>,
      %get3A_681 = vector.shape_cast %get3A_680 : vector<1x16xf32> to vector<16xf32>
      %mul3A_682 = arith.constant 11.3137083 : f32
      %mul3A_683 = vector.broadcast %mul3A_682 : f32 to vector<16xf32>
      %mul3A_684 = arith.mulf %get3A_681, %mul3A_683 : vector<16xf32>
      %swap3A_685 = arith.index_cast %scan3A_677 : i32 to index
      %swap3A_686 = arith.constant 0 : index
      %swap3A_687 = tpu.vector_load %arg8[%swap3A_685, %swap3A_686] {strides = array<i32>} : memref<256x128xf32, #tpu.memory_space<vmem>>, vector<1x16xf32>,
      %swap3A_688 = vector.shape_cast %swap3A_687 : vector<1x16xf32> to vector<16xf32>
      %swap3A_689 = vector.shape_cast %mul3A_684 : vector<16xf32> to vector<1x16xf32>
      tpu.vector_store %arg8[%swap3A_685, %swap3A_686], %swap3A_689 {add = true, strides = array<i32>} : memref<256x128xf32, #tpu.memory_space<vmem>>, vector<1x16xf32>,
      %get3A_690 = arith.index_cast %scan3A_677 : i32 to index
      %get3A_691 = arith.constant 16 : index
      %get3A_692 = tpu.vector_load %arg7[%get3A_690, %get3A_691] {strides = array<i32>} : memref<256x128xf32, #tpu.memory_space<vmem>>, vector<1x16xf32>,
      %get3A_693 = vector.shape_cast %get3A_692 : vector<1x16xf32> to vector<16xf32>
      %mul3A_694 = arith.constant 11.3137083 : f32
      %mul3A_695 = vector.broadcast %mul3A_694 : f32 to vector<16xf32>
      %mul3A_696 = arith.mulf %get3A_693, %mul3A_695 : vector<16xf32>
      %swap3A_697 = arith.index_cast %scan3A_677 : i32 to index
      %swap3A_698 = arith.constant 16 : index
      %swap3A_699 = tpu.vector_load %arg8[%swap3A_697, %swap3A_698] {strides = array<i32>} : memref<256x128xf32, #tpu.memory_space<vmem>>, vector<1x16xf32>,
      %swap3A_700 = vector.shape_cast %swap3A_699 : vector<1x16xf32> to vector<16xf32>
      %swap3A_701 = vector.shape_cast %mul3A_696 : vector<16xf32> to vector<1x16xf32>
      tpu.vector_store %arg8[%swap3A_697, %swap3A_698], %swap3A_701 {add = true, strides = array<i32>} : memref<256x128xf32, #tpu.memory_space<vmem>>, vector<1x16xf32>,
      %get3A_702 = arith.index_cast %scan3A_677 : i32 to index
      %get3A_703 = arith.constant 32 : index
      %get3A_704 = tpu.vector_load %arg7[%get3A_702, %get3A_703] {strides = array<i32>} : memref<256x128xf32, #tpu.memory_space<vmem>>, vector<1x16xf32>,
      %get3A_705 = vector.shape_cast %get3A_704 : vector<1x16xf32> to vector<16xf32>
      %mul3A_706 = arith.constant 11.3137083 : f32
      %mul3A_707 = vector.broadcast %mul3A_706 : f32 to vector<16xf32>
      %mul3A_708 = arith.mulf %get3A_705, %mul3A_707 : vector<16xf32>
      %swap3A_709 = arith.index_cast %scan3A_677 : i32 to index
      %swap3A_710 = arith.constant 32 : index
      %swap3A_711 = tpu.vector_load %arg8[%swap3A_709, %swap3A_710] {strides = array<i32>} : memref<256x128xf32, #tpu.memory_space<vmem>>, vector<1x16xf32>,
      %swap3A_712 = vector.shape_cast %swap3A_711 : vector<1x16xf32> to vector<16xf32>
      %swap3A_713 = vector.shape_cast %mul3A_708 : vector<16xf32> to vector<1x16xf32>
      tpu.vector_store %arg8[%swap3A_709, %swap3A_710], %swap3A_713 {add = true, strides = array<i32>} : memref<256x128xf32, #tpu.memory_space<vmem>>, vector<1x16xf32>,
      %get3A_714 = arith.index_cast %scan3A_677 : i32 to index
      %get3A_715 = arith.constant 48 : index
      %get3A_716 = tpu.vector_load %arg7[%get3A_714, %get3A_715] {strides = array<i32>} : memref<256x128xf32, #tpu.memory_space<vmem>>, vector<1x16xf32>,
      %get3A_717 = vector.shape_cast %get3A_716 : vector<1x16xf32> to vector<16xf32>
      %mul3A_718 = arith.constant 11.3137083 : f32
      %mul3A_719 = vector.broadcast %mul3A_718 : f32 to vector<16xf32>
      %mul3A_720 = arith.mulf %get3A_717, %mul3A_719 : vector<16xf32>
      %swap3A_721 = arith.index_cast %scan3A_677 : i32 to index
      %swap3A_722 = arith.constant 48 : index
      %swap3A_723 = tpu.vector_load %arg8[%swap3A_721, %swap3A_722] {strides = array<i32>} : memref<256x128xf32, #tpu.memory_space<vmem>>, vector<1x16xf32>,
      %swap3A_724 = vector.shape_cast %swap3A_723 : vector<1x16xf32> to vector<16xf32>
      %swap3A_725 = vector.shape_cast %mul3A_720 : vector<16xf32> to vector<1x16xf32>
      tpu.vector_store %arg8[%swap3A_721, %swap3A_722], %swap3A_725 {add = true, strides = array<i32>} : memref<256x128xf32, #tpu.memory_space<vmem>>, vector<1x16xf32>,
      %get3A_726 = arith.index_cast %scan3A_677 : i32 to index
      %get3A_727 = arith.constant 64 : index
      %get3A_728 = tpu.vector_load %arg7[%get3A_726, %get3A_727] {strides = array<i32>} : memref<256x128xf32, #tpu.memory_space<vmem>>, vector<1x16xf32>,
      %get3A_729 = vector.shape_cast %get3A_728 : vector<1x16xf32> to vector<16xf32>
      %mul3A_730 = arith.constant 11.3137083 : f32
      %mul3A_731 = vector.broadcast %mul3A_730 : f32 to vector<16xf32>
      %mul3A_732 = arith.mulf %get3A_729, %mul3A_731 : vector<16xf32>
      %swap3A_733 = arith.index_cast %scan3A_677 : i32 to index
      %swap3A_734 = arith.constant 64 : index
      %swap3A_735 = tpu.vector_load %arg8[%swap3A_733, %swap3A_734] {strides = array<i32>} : memref<256x128xf32, #tpu.memory_space<vmem>>, vector<1x16xf32>,
      %swap3A_736 = vector.shape_cast %swap3A_735 : vector<1x16xf32> to vector<16xf32>
      %swap3A_737 = vector.shape_cast %mul3A_732 : vector<16xf32> to vector<1x16xf32>
      tpu.vector_store %arg8[%swap3A_733, %swap3A_734], %swap3A_737 {add = true, strides = array<i32>} : memref<256x128xf32, #tpu.memory_space<vmem>>, vector<1x16xf32>,
      %get3A_738 = arith.index_cast %scan3A_677 : i32 to index
      %get3A_739 = arith.constant 80 : index
      %get3A_740 = tpu.vector_load %arg7[%get3A_738, %get3A_739] {strides = array<i32>} : memref<256x128xf32, #tpu.memory_space<vmem>>, vector<1x16xf32>,
      %get3A_741 = vector.shape_cast %get3A_740 : vector<1x16xf32> to vector<16xf32>
      %mul3A_742 = arith.constant 11.3137083 : f32
      %mul3A_743 = vector.broadcast %mul3A_742 : f32 to vector<16xf32>
      %mul3A_744 = arith.mulf %get3A_741, %mul3A_743 : vector<16xf32>
      %swap3A_745 = arith.index_cast %scan3A_677 : i32 to index
      %swap3A_746 = arith.constant 80 : index
      %swap3A_747 = tpu.vector_load %arg8[%swap3A_745, %swap3A_746] {strides = array<i32>} : memref<256x128xf32, #tpu.memory_space<vmem>>, vector<1x16xf32>,
      %swap3A_748 = vector.shape_cast %swap3A_747 : vector<1x16xf32> to vector<16xf32>
      %swap3A_749 = vector.shape_cast %mul3A_744 : vector<16xf32> to vector<1x16xf32>
      tpu.vector_store %arg8[%swap3A_745, %swap3A_746], %swap3A_749 {add = true, strides = array<i32>} : memref<256x128xf32, #tpu.memory_space<vmem>>, vector<1x16xf32>,
      %get3A_750 = arith.index_cast %scan3A_677 : i32 to index
      %get3A_751 = arith.constant 96 : index
      %get3A_752 = tpu.vector_load %arg7[%get3A_750, %get3A_751] {strides = array<i32>} : memref<256x128xf32, #tpu.memory_space<vmem>>, vector<1x16xf32>,
      %get3A_753 = vector.shape_cast %get3A_752 : vector<1x16xf32> to vector<16xf32>
      %mul3A_754 = arith.constant 11.3137083 : f32
      %mul3A_755 = vector.broadcast %mul3A_754 : f32 to vector<16xf32>
      %mul3A_756 = arith.mulf %get3A_753, %mul3A_755 : vector<16xf32>
      %swap3A_757 = arith.index_cast %scan3A_677 : i32 to index
      %swap3A_758 = arith.constant 96 : index
      %swap3A_759 = tpu.vector_load %arg8[%swap3A_757, %swap3A_758] {strides = array<i32>} : memref<256x128xf32, #tpu.memory_space<vmem>>, vector<1x16xf32>,
      %swap3A_760 = vector.shape_cast %swap3A_759 : vector<1x16xf32> to vector<16xf32>
      %swap3A_761 = vector.shape_cast %mul3A_756 : vector<16xf32> to vector<1x16xf32>
      tpu.vector_store %arg8[%swap3A_757, %swap3A_758], %swap3A_761 {add = true, strides = array<i32>} : memref<256x128xf32, #tpu.memory_space<vmem>>, vector<1x16xf32>,
      %get3A_762 = arith.index_cast %scan3A_677 : i32 to index
      %get3A_763 = arith.constant 112 : index
      %get3A_764 = tpu.vector_load %arg7[%get3A_762, %get3A_763] {strides = array<i32>} : memref<256x128xf32, #tpu.memory_space<vmem>>, vector<1x16xf32>,
      %get3A_765 = vector.shape_cast %get3A_764 : vector<1x16xf32> to vector<16xf32>
      %mul3A_766 = arith.constant 11.3137083 : f32
      %mul3A_767 = vector.broadcast %mul3A_766 : f32 to vector<16xf32>
      %mul3A_768 = arith.mulf %get3A_765, %mul3A_767 : vector<16xf32>
      %swap3A_769 = arith.index_cast %scan3A_677 : i32 to index
      %swap3A_770 = arith.constant 112 : index
      %swap3A_771 = tpu.vector_load %arg8[%swap3A_769, %swap3A_770] {strides = array<i32>} : memref<256x128xf32, #tpu.memory_space<vmem>>, vector<1x16xf32>,
      %swap3A_772 = vector.shape_cast %swap3A_771 : vector<1x16xf32> to vector<16xf32>
      %swap3A_773 = vector.shape_cast %mul3A_768 : vector<16xf32> to vector<1x16xf32>
      tpu.vector_store %arg8[%swap3A_769, %swap3A_770], %swap3A_773 {add = true, strides = array<i32>} : memref<256x128xf32, #tpu.memory_space<vmem>>, vector<1x16xf32>,
    }
    %scan3A_308 = arith.constant 64 : i32
    %add3A_309 = arith.constant 0 : i32
    %add3A_310 = arith.addi %add3A_32, %add3A_309 : i32
    %dma_start3A_311 = arith.constant 0 : i32
    %dma_start3A_312 = arith.constant 0 : i32
    %dma_start3A_313 = arith.constant 0 : i32
    %dma_start3A_314 = tpu.memref_slice %arg8[%dma_start3A_312, %dma_start3A_313] : memref<256x128xf32, #tpu.memory_space<vmem>> -> memref<64x128xf32, #tpu.memory_space<vmem>>
    %dma_start3A_315 = arith.constant 0 : i32
    %dma_start3A_316 = arith.constant 0 : i32
    %dma_start3A_317 = tpu.memref_slice %arg5[%select_n3A, %dma_start3A_315, %dma_start3A_316] : memref<4x2048x128xf32, #tpu.memory_space<hbm>> -> memref<1x2048x128xf32, #tpu.memory_space<hbm>>
    %dma_start3A_318 = tpu.memref_squeeze %dma_start3A_317 : memref<1x2048x128xf32, #tpu.memory_space<hbm>> -> memref<2048x128xf32, #tpu.memory_space<hbm>>
    %dma_start3A_319 = arith.constant 0 : i32
    %dma_start3A_320 = tpu.memref_slice %dma_start3A_318[%add3A_310, %dma_start3A_319] : memref<2048x128xf32, #tpu.memory_space<hbm>> -> memref<64x128xf32, #tpu.memory_space<hbm>>
    %dma_start3A_321 = tpu.memref_slice %arg13[%dma_start3A_311] : memref<4x!tpu.dma_semaphore, #tpu.memory_space<semaphore_mem>> -> memref<1x!tpu.dma_semaphore, #tpu.memory_space<semaphore_mem>>
    %dma_start3A_322 = tpu.memref_squeeze %dma_start3A_321 : memref<1x!tpu.dma_semaphore, #tpu.memory_space<semaphore_mem>> -> memref<!tpu.dma_semaphore, #tpu.memory_space<semaphore_mem>>
    %dma_start3A_323 = arith.constant 0 : i32
    %dma_start3A_324 = arith.constant 0 : i32
    %dma_start3A_325 = tpu.memref_slice %arg5[%select_n3A, %dma_start3A_323, %dma_start3A_324] : memref<4x2048x128xf32, #tpu.memory_space<hbm>> -> memref<1x2048x128xf32, #tpu.memory_space<hbm>>
    %dma_start3A_326 = tpu.memref_squeeze %dma_start3A_325 : memref<1x2048x128xf32, #tpu.memory_space<hbm>> -> memref<2048x128xf32, #tpu.memory_space<hbm>>
    %dma_start3A_327 = arith.constant 0 : i32
    %dma_start3A_328 = tpu.memref_slice %dma_start3A_326[%add3A_310, %dma_start3A_327] : memref<2048x128xf32, #tpu.memory_space<hbm>> -> memref<64x128xf32, #tpu.memory_space<hbm>>
    %dma_start3A_329 = arith.constant 0 : i32
    %dma_start3A_330 = arith.constant 0 : i32
    %dma_start3A_331 = tpu.memref_slice %arg8[%dma_start3A_329, %dma_start3A_330] : memref<256x128xf32, #tpu.memory_space<vmem>> -> memref<64x128xf32, #tpu.memory_space<vmem>>
    tpu.enqueue_dma source(%dma_start3A_331 : memref<64x128xf32, #tpu.memory_space<vmem>>) target(%dma_start3A_328 : memref<64x128xf32, #tpu.memory_space<hbm>>) target_semaphore(%dma_start3A_322 : memref<!tpu.dma_semaphore, #tpu.memory_space<semaphore_mem>>)
    %dma_wait3A_332 = arith.constant 1 : i32
    %dma_wait3A_333 = arith.constant 1 : i32
    %dma_wait3A_334 = arith.constant 64 : i32
    %dma_wait3A_335 = arith.constant 0 : i32
    %dma_wait3A_336 = tpu.memref_slice %arg7[%dma_wait3A_334, %dma_wait3A_335] : memref<256x128xf32, #tpu.memory_space<vmem>> -> memref<64x128xf32, #tpu.memory_space<vmem>>
    %dma_wait3A_337 = arith.constant 0 : i32
    %dma_wait3A_338 = tpu.memref_slice %arg6[%dma_wait3A_332, %dma_wait3A_337] : memref<4x64xi32, #tpu.memory_space<vmem>> -> memref<1x64xi32, #tpu.memory_space<vmem>>
    %dma_wait3A_339 = tpu.memref_squeeze %dma_wait3A_338 : memref<1x64xi32, #tpu.memory_space<vmem>> -> memref<64xi32, #tpu.memory_space<vmem>>
    %dma_wait3A_340 = arith.constant 0 : i32
    %dma_wait3A_341 = arith.constant 0 : i32
    %dma_wait3A_342 = tpu.memref_slice %arg3[%dma_wait3A_340, %dma_wait3A_341] : memref<100000x128xf32, #tpu.memory_space<hbm>> -> memref<100000x128xf32, #tpu.memory_space<hbm>>
    %dma_wait3A_343 = tpu.memref_slice %arg11[%dma_wait3A_333] : memref<4x!tpu.dma_semaphore, #tpu.memory_space<semaphore_mem>> -> memref<1x!tpu.dma_semaphore, #tpu.memory_space<semaphore_mem>>
    %dma_wait3A_344 = tpu.memref_squeeze %dma_wait3A_343 : memref<1x!tpu.dma_semaphore, #tpu.memory_space<semaphore_mem>> -> memref<!tpu.dma_semaphore, #tpu.memory_space<semaphore_mem>>
    tpu.wait_indirect_dma semaphore(%dma_wait3A_344 : memref<!tpu.dma_semaphore, #tpu.memory_space<semaphore_mem>>) src(%dma_wait3A_342 : memref<100000x128xf32, #tpu.memory_space<hbm>>) dst(%dma_wait3A_336 : memref<64x128xf32, #tpu.memory_space<vmem>>)
    %dma_wait3A_345 = arith.constant 1 : i32
    %dma_wait3A_346 = arith.constant 64 : i32
    %dma_wait3A_347 = arith.constant 0 : i32
    %dma_wait3A_348 = tpu.memref_slice %arg8[%dma_wait3A_346, %dma_wait3A_347] : memref<256x128xf32, #tpu.memory_space<vmem>> -> memref<64x128xf32, #tpu.memory_space<vmem>>
    %dma_wait3A_349 = arith.constant 0 : i32
    %dma_wait3A_350 = tpu.memref_slice %arg9[%add3A_234, %dma_wait3A_349] : memref<1024x128xf32, #tpu.memory_space<vmem_shared>> -> memref<64x128xf32, #tpu.memory_space<vmem_shared>>
    %dma_wait3A_351 = tpu.memref_slice %arg12[%dma_wait3A_345] : memref<4x!tpu.dma_semaphore, #tpu.memory_space<semaphore_mem>> -> memref<1x!tpu.dma_semaphore, #tpu.memory_space<semaphore_mem>>
    %dma_wait3A_352 = tpu.memref_squeeze %dma_wait3A_351 : memref<1x!tpu.dma_semaphore, #tpu.memory_space<semaphore_mem>> -> memref<!tpu.dma_semaphore, #tpu.memory_space<semaphore_mem>>
    %dma_wait3A_353 = arith.constant 64 : i32
    %dma_wait3A_354 = arith.constant 0 : i32
    %dma_wait3A_355 = tpu.memref_slice %arg8[%dma_wait3A_353, %dma_wait3A_354] : memref<256x128xf32, #tpu.memory_space<vmem>> -> memref<64x128xf32, #tpu.memory_space<vmem>>
    %dma_wait3A_356 = arith.constant 0 : i32
    %dma_wait3A_357 = tpu.memref_slice %arg9[%add3A_234, %dma_wait3A_356] : memref<1024x128xf32, #tpu.memory_space<vmem_shared>> -> memref<64x128xf32, #tpu.memory_space<vmem_shared>>
    tpu.wait_dma2 semaphore(%dma_wait3A_352 : memref<!tpu.dma_semaphore, #tpu.memory_space<semaphore_mem>>) src(%dma_wait3A_357 : memref<64x128xf32, #tpu.memory_space<vmem_shared>>) dst(%dma_wait3A_355 : memref<64x128xf32, #tpu.memory_space<vmem>>)
    %scan3A_358 = arith.constant 0 : i32
    %scan3A_359 = arith.constant 64 : i32
    %scan3A_360 = arith.constant 64 : i32
    %scan3A_361 = arith.addi %scan3A_359, %scan3A_360 : i32
    %scan3A_362 = arith.constant 2 : i32
    scf.for %scan3A_581 = %scan3A_359 to %scan3A_361 step %scan3A_362  : i32 {
      %get3A = arith.index_cast %scan3A_581 : i32 to index
      %get3A_582 = arith.constant 0 : index
      %get3A_583 = tpu.vector_load %arg7[%get3A, %get3A_582] {strides = array<i32>} : memref<256x128xf32, #tpu.memory_space<vmem>>, vector<1x16xf32>,
      %get3A_584 = vector.shape_cast %get3A_583 : vector<1x16xf32> to vector<16xf32>
      %mul3A_585 = arith.constant 11.3137083 : f32
      %mul3A_586 = vector.broadcast %mul3A_585 : f32 to vector<16xf32>
      %mul3A_587 = arith.mulf %get3A_584, %mul3A_586 : vector<16xf32>
      %swap3A = arith.index_cast %scan3A_581 : i32 to index
      %swap3A_588 = arith.constant 0 : index
      %swap3A_589 = tpu.vector_load %arg8[%swap3A, %swap3A_588] {strides = array<i32>} : memref<256x128xf32, #tpu.memory_space<vmem>>, vector<1x16xf32>,
      %swap3A_590 = vector.shape_cast %swap3A_589 : vector<1x16xf32> to vector<16xf32>
      %swap3A_591 = vector.shape_cast %mul3A_587 : vector<16xf32> to vector<1x16xf32>
      tpu.vector_store %arg8[%swap3A, %swap3A_588], %swap3A_591 {add = true, strides = array<i32>} : memref<256x128xf32, #tpu.memory_space<vmem>>, vector<1x16xf32>,
      %get3A_592 = arith.index_cast %scan3A_581 : i32 to index
      %get3A_593 = arith.constant 16 : index
      %get3A_594 = tpu.vector_load %arg7[%get3A_592, %get3A_593] {strides = array<i32>} : memref<256x128xf32, #tpu.memory_space<vmem>>, vector<1x16xf32>,
      %get3A_595 = vector.shape_cast %get3A_594 : vector<1x16xf32> to vector<16xf32>
      %mul3A_596 = arith.constant 11.3137083 : f32
      %mul3A_597 = vector.broadcast %mul3A_596 : f32 to vector<16xf32>
      %mul3A_598 = arith.mulf %get3A_595, %mul3A_597 : vector<16xf32>
      %swap3A_599 = arith.index_cast %scan3A_581 : i32 to index
      %swap3A_600 = arith.constant 16 : index
      %swap3A_601 = tpu.vector_load %arg8[%swap3A_599, %swap3A_600] {strides = array<i32>} : memref<256x128xf32, #tpu.memory_space<vmem>>, vector<1x16xf32>,
      %swap3A_602 = vector.shape_cast %swap3A_601 : vector<1x16xf32> to vector<16xf32>
      %swap3A_603 = vector.shape_cast %mul3A_598 : vector<16xf32> to vector<1x16xf32>
      tpu.vector_store %arg8[%swap3A_599, %swap3A_600], %swap3A_603 {add = true, strides = array<i32>} : memref<256x128xf32, #tpu.memory_space<vmem>>, vector<1x16xf32>,
      %get3A_604 = arith.index_cast %scan3A_581 : i32 to index
      %get3A_605 = arith.constant 32 : index
      %get3A_606 = tpu.vector_load %arg7[%get3A_604, %get3A_605] {strides = array<i32>} : memref<256x128xf32, #tpu.memory_space<vmem>>, vector<1x16xf32>,
      %get3A_607 = vector.shape_cast %get3A_606 : vector<1x16xf32> to vector<16xf32>
      %mul3A_608 = arith.constant 11.3137083 : f32
      %mul3A_609 = vector.broadcast %mul3A_608 : f32 to vector<16xf32>
      %mul3A_610 = arith.mulf %get3A_607, %mul3A_609 : vector<16xf32>
      %swap3A_611 = arith.index_cast %scan3A_581 : i32 to index
      %swap3A_612 = arith.constant 32 : index
      %swap3A_613 = tpu.vector_load %arg8[%swap3A_611, %swap3A_612] {strides = array<i32>} : memref<256x128xf32, #tpu.memory_space<vmem>>, vector<1x16xf32>,
      %swap3A_614 = vector.shape_cast %swap3A_613 : vector<1x16xf32> to vector<16xf32>
      %swap3A_615 = vector.shape_cast %mul3A_610 : vector<16xf32> to vector<1x16xf32>
      tpu.vector_store %arg8[%swap3A_611, %swap3A_612], %swap3A_615 {add = true, strides = array<i32>} : memref<256x128xf32, #tpu.memory_space<vmem>>, vector<1x16xf32>,
      %get3A_616 = arith.index_cast %scan3A_581 : i32 to index
      %get3A_617 = arith.constant 48 : index
      %get3A_618 = tpu.vector_load %arg7[%get3A_616, %get3A_617] {strides = array<i32>} : memref<256x128xf32, #tpu.memory_space<vmem>>, vector<1x16xf32>,
      %get3A_619 = vector.shape_cast %get3A_618 : vector<1x16xf32> to vector<16xf32>
      %mul3A_620 = arith.constant 11.3137083 : f32
      %mul3A_621 = vector.broadcast %mul3A_620 : f32 to vector<16xf32>
      %mul3A_622 = arith.mulf %get3A_619, %mul3A_621 : vector<16xf32>
      %swap3A_623 = arith.index_cast %scan3A_581 : i32 to index
      %swap3A_624 = arith.constant 48 : index
      %swap3A_625 = tpu.vector_load %arg8[%swap3A_623, %swap3A_624] {strides = array<i32>} : memref<256x128xf32, #tpu.memory_space<vmem>>, vector<1x16xf32>,
      %swap3A_626 = vector.shape_cast %swap3A_625 : vector<1x16xf32> to vector<16xf32>
      %swap3A_627 = vector.shape_cast %mul3A_622 : vector<16xf32> to vector<1x16xf32>
      tpu.vector_store %arg8[%swap3A_623, %swap3A_624], %swap3A_627 {add = true, strides = array<i32>} : memref<256x128xf32, #tpu.memory_space<vmem>>, vector<1x16xf32>,
      %get3A_628 = arith.index_cast %scan3A_581 : i32 to index
      %get3A_629 = arith.constant 64 : index
      %get3A_630 = tpu.vector_load %arg7[%get3A_628, %get3A_629] {strides = array<i32>} : memref<256x128xf32, #tpu.memory_space<vmem>>, vector<1x16xf32>,
      %get3A_631 = vector.shape_cast %get3A_630 : vector<1x16xf32> to vector<16xf32>
      %mul3A_632 = arith.constant 11.3137083 : f32
      %mul3A_633 = vector.broadcast %mul3A_632 : f32 to vector<16xf32>
      %mul3A_634 = arith.mulf %get3A_631, %mul3A_633 : vector<16xf32>
      %swap3A_635 = arith.index_cast %scan3A_581 : i32 to index
      %swap3A_636 = arith.constant 64 : index
      %swap3A_637 = tpu.vector_load %arg8[%swap3A_635, %swap3A_636] {strides = array<i32>} : memref<256x128xf32, #tpu.memory_space<vmem>>, vector<1x16xf32>,
      %swap3A_638 = vector.shape_cast %swap3A_637 : vector<1x16xf32> to vector<16xf32>
      %swap3A_639 = vector.shape_cast %mul3A_634 : vector<16xf32> to vector<1x16xf32>
      tpu.vector_store %arg8[%swap3A_635, %swap3A_636], %swap3A_639 {add = true, strides = array<i32>} : memref<256x128xf32, #tpu.memory_space<vmem>>, vector<1x16xf32>,
      %get3A_640 = arith.index_cast %scan3A_581 : i32 to index
      %get3A_641 = arith.constant 80 : index
      %get3A_642 = tpu.vector_load %arg7[%get3A_640, %get3A_641] {strides = array<i32>} : memref<256x128xf32, #tpu.memory_space<vmem>>, vector<1x16xf32>,
      %get3A_643 = vector.shape_cast %get3A_642 : vector<1x16xf32> to vector<16xf32>
      %mul3A_644 = arith.constant 11.3137083 : f32
      %mul3A_645 = vector.broadcast %mul3A_644 : f32 to vector<16xf32>
      %mul3A_646 = arith.mulf %get3A_643, %mul3A_645 : vector<16xf32>
      %swap3A_647 = arith.index_cast %scan3A_581 : i32 to index
      %swap3A_648 = arith.constant 80 : index
      %swap3A_649 = tpu.vector_load %arg8[%swap3A_647, %swap3A_648] {strides = array<i32>} : memref<256x128xf32, #tpu.memory_space<vmem>>, vector<1x16xf32>,
      %swap3A_650 = vector.shape_cast %swap3A_649 : vector<1x16xf32> to vector<16xf32>
      %swap3A_651 = vector.shape_cast %mul3A_646 : vector<16xf32> to vector<1x16xf32>
      tpu.vector_store %arg8[%swap3A_647, %swap3A_648], %swap3A_651 {add = true, strides = array<i32>} : memref<256x128xf32, #tpu.memory_space<vmem>>, vector<1x16xf32>,
      %get3A_652 = arith.index_cast %scan3A_581 : i32 to index
      %get3A_653 = arith.constant 96 : index
      %get3A_654 = tpu.vector_load %arg7[%get3A_652, %get3A_653] {strides = array<i32>} : memref<256x128xf32, #tpu.memory_space<vmem>>, vector<1x16xf32>,
      %get3A_655 = vector.shape_cast %get3A_654 : vector<1x16xf32> to vector<16xf32>
      %mul3A_656 = arith.constant 11.3137083 : f32
      %mul3A_657 = vector.broadcast %mul3A_656 : f32 to vector<16xf32>
      %mul3A_658 = arith.mulf %get3A_655, %mul3A_657 : vector<16xf32>
      %swap3A_659 = arith.index_cast %scan3A_581 : i32 to index
      %swap3A_660 = arith.constant 96 : index
      %swap3A_661 = tpu.vector_load %arg8[%swap3A_659, %swap3A_660] {strides = array<i32>} : memref<256x128xf32, #tpu.memory_space<vmem>>, vector<1x16xf32>,
      %swap3A_662 = vector.shape_cast %swap3A_661 : vector<1x16xf32> to vector<16xf32>
      %swap3A_663 = vector.shape_cast %mul3A_658 : vector<16xf32> to vector<1x16xf32>
      tpu.vector_store %arg8[%swap3A_659, %swap3A_660], %swap3A_663 {add = true, strides = array<i32>} : memref<256x128xf32, #tpu.memory_space<vmem>>, vector<1x16xf32>,
      %get3A_664 = arith.index_cast %scan3A_581 : i32 to index
      %get3A_665 = arith.constant 112 : index
      %get3A_666 = tpu.vector_load %arg7[%get3A_664, %get3A_665] {strides = array<i32>} : memref<256x128xf32, #tpu.memory_space<vmem>>, vector<1x16xf32>,
      %get3A_667 = vector.shape_cast %get3A_666 : vector<1x16xf32> to vector<16xf32>
      %mul3A_668 = arith.constant 11.3137083 : f32
      %mul3A_669 = vector.broadcast %mul3A_668 : f32 to vector<16xf32>
      %mul3A_670 = arith.mulf %get3A_667, %mul3A_669 : vector<16xf32>
      %swap3A_671 = arith.index_cast %scan3A_581 : i32 to index
      %swap3A_672 = arith.constant 112 : index
      %swap3A_673 = tpu.vector_load %arg8[%swap3A_671, %swap3A_672] {strides = array<i32>} : memref<256x128xf32, #tpu.memory_space<vmem>>, vector<1x16xf32>,
      %swap3A_674 = vector.shape_cast %swap3A_673 : vector<1x16xf32> to vector<16xf32>
      %swap3A_675 = vector.shape_cast %mul3A_670 : vector<16xf32> to vector<1x16xf32>
      tpu.vector_store %arg8[%swap3A_671, %swap3A_672], %swap3A_675 {add = true, strides = array<i32>} : memref<256x128xf32, #tpu.memory_space<vmem>>, vector<1x16xf32>,
      %scan3A_676 = arith.constant 1 : i32
      %scan3A_677 = arith.addi %scan3A_581, %scan3A_676 : i32
      %get3A_678 = arith.index_cast %scan3A_677 : i32 to index
      %get3A_679 = arith.constant 0 : index
      %get3A_680 = tpu.vector_load %arg7[%get3A_678, %get3A_679] {strides = array<i32>} : memref<256x128xf32, #tpu.memory_space<vmem>>, vector<1x16xf32>,
      %get3A_681 = vector.shape_cast %get3A_680 : vector<1x16xf32> to vector<16xf32>
      %mul3A_682 = arith.constant 11.3137083 : f32
      %mul3A_683 = vector.broadcast %mul3A_682 : f32 to vector<16xf32>
      %mul3A_684 = arith.mulf %get3A_681, %mul3A_683 : vector<16xf32>
      %swap3A_685 = arith.index_cast %scan3A_677 : i32 to index
      %swap3A_686 = arith.constant 0 : index
      %swap3A_687 = tpu.vector_load %arg8[%swap3A_685, %swap3A_686] {strides = array<i32>} : memref<256x128xf32, #tpu.memory_space<vmem>>, vector<1x16xf32>,
      %swap3A_688 = vector.shape_cast %swap3A_687 : vector<1x16xf32> to vector<16xf32>
      %swap3A_689 = vector.shape_cast %mul3A_684 : vector<16xf32> to vector<1x16xf32>
      tpu.vector_store %arg8[%swap3A_685, %swap3A_686], %swap3A_689 {add = true, strides = array<i32>} : memref<256x128xf32, #tpu.memory_space<vmem>>, vector<1x16xf32>,
      %get3A_690 = arith.index_cast %scan3A_677 : i32 to index
      %get3A_691 = arith.constant 16 : index
      %get3A_692 = tpu.vector_load %arg7[%get3A_690, %get3A_691] {strides = array<i32>} : memref<256x128xf32, #tpu.memory_space<vmem>>, vector<1x16xf32>,
      %get3A_693 = vector.shape_cast %get3A_692 : vector<1x16xf32> to vector<16xf32>
      %mul3A_694 = arith.constant 11.3137083 : f32
      %mul3A_695 = vector.broadcast %mul3A_694 : f32 to vector<16xf32>
      %mul3A_696 = arith.mulf %get3A_693, %mul3A_695 : vector<16xf32>
      %swap3A_697 = arith.index_cast %scan3A_677 : i32 to index
      %swap3A_698 = arith.constant 16 : index
      %swap3A_699 = tpu.vector_load %arg8[%swap3A_697, %swap3A_698] {strides = array<i32>} : memref<256x128xf32, #tpu.memory_space<vmem>>, vector<1x16xf32>,
      %swap3A_700 = vector.shape_cast %swap3A_699 : vector<1x16xf32> to vector<16xf32>
      %swap3A_701 = vector.shape_cast %mul3A_696 : vector<16xf32> to vector<1x16xf32>
      tpu.vector_store %arg8[%swap3A_697, %swap3A_698], %swap3A_701 {add = true, strides = array<i32>} : memref<256x128xf32, #tpu.memory_space<vmem>>, vector<1x16xf32>,
      %get3A_702 = arith.index_cast %scan3A_677 : i32 to index
      %get3A_703 = arith.constant 32 : index
      %get3A_704 = tpu.vector_load %arg7[%get3A_702, %get3A_703] {strides = array<i32>} : memref<256x128xf32, #tpu.memory_space<vmem>>, vector<1x16xf32>,
      %get3A_705 = vector.shape_cast %get3A_704 : vector<1x16xf32> to vector<16xf32>
      %mul3A_706 = arith.constant 11.3137083 : f32
      %mul3A_707 = vector.broadcast %mul3A_706 : f32 to vector<16xf32>
      %mul3A_708 = arith.mulf %get3A_705, %mul3A_707 : vector<16xf32>
      %swap3A_709 = arith.index_cast %scan3A_677 : i32 to index
      %swap3A_710 = arith.constant 32 : index
      %swap3A_711 = tpu.vector_load %arg8[%swap3A_709, %swap3A_710] {strides = array<i32>} : memref<256x128xf32, #tpu.memory_space<vmem>>, vector<1x16xf32>,
      %swap3A_712 = vector.shape_cast %swap3A_711 : vector<1x16xf32> to vector<16xf32>
      %swap3A_713 = vector.shape_cast %mul3A_708 : vector<16xf32> to vector<1x16xf32>
      tpu.vector_store %arg8[%swap3A_709, %swap3A_710], %swap3A_713 {add = true, strides = array<i32>} : memref<256x128xf32, #tpu.memory_space<vmem>>, vector<1x16xf32>,
      %get3A_714 = arith.index_cast %scan3A_677 : i32 to index
      %get3A_715 = arith.constant 48 : index
      %get3A_716 = tpu.vector_load %arg7[%get3A_714, %get3A_715] {strides = array<i32>} : memref<256x128xf32, #tpu.memory_space<vmem>>, vector<1x16xf32>,
      %get3A_717 = vector.shape_cast %get3A_716 : vector<1x16xf32> to vector<16xf32>
      %mul3A_718 = arith.constant 11.3137083 : f32
      %mul3A_719 = vector.broadcast %mul3A_718 : f32 to vector<16xf32>
      %mul3A_720 = arith.mulf %get3A_717, %mul3A_719 : vector<16xf32>
      %swap3A_721 = arith.index_cast %scan3A_677 : i32 to index
      %swap3A_722 = arith.constant 48 : index
      %swap3A_723 = tpu.vector_load %arg8[%swap3A_721, %swap3A_722] {strides = array<i32>} : memref<256x128xf32, #tpu.memory_space<vmem>>, vector<1x16xf32>,
      %swap3A_724 = vector.shape_cast %swap3A_723 : vector<1x16xf32> to vector<16xf32>
      %swap3A_725 = vector.shape_cast %mul3A_720 : vector<16xf32> to vector<1x16xf32>
      tpu.vector_store %arg8[%swap3A_721, %swap3A_722], %swap3A_725 {add = true, strides = array<i32>} : memref<256x128xf32, #tpu.memory_space<vmem>>, vector<1x16xf32>,
      %get3A_726 = arith.index_cast %scan3A_677 : i32 to index
      %get3A_727 = arith.constant 64 : index
      %get3A_728 = tpu.vector_load %arg7[%get3A_726, %get3A_727] {strides = array<i32>} : memref<256x128xf32, #tpu.memory_space<vmem>>, vector<1x16xf32>,
      %get3A_729 = vector.shape_cast %get3A_728 : vector<1x16xf32> to vector<16xf32>
      %mul3A_730 = arith.constant 11.3137083 : f32
      %mul3A_731 = vector.broadcast %mul3A_730 : f32 to vector<16xf32>
      %mul3A_732 = arith.mulf %get3A_729, %mul3A_731 : vector<16xf32>
      %swap3A_733 = arith.index_cast %scan3A_677 : i32 to index
      %swap3A_734 = arith.constant 64 : index
      %swap3A_735 = tpu.vector_load %arg8[%swap3A_733, %swap3A_734] {strides = array<i32>} : memref<256x128xf32, #tpu.memory_space<vmem>>, vector<1x16xf32>,
      %swap3A_736 = vector.shape_cast %swap3A_735 : vector<1x16xf32> to vector<16xf32>
      %swap3A_737 = vector.shape_cast %mul3A_732 : vector<16xf32> to vector<1x16xf32>
      tpu.vector_store %arg8[%swap3A_733, %swap3A_734], %swap3A_737 {add = true, strides = array<i32>} : memref<256x128xf32, #tpu.memory_space<vmem>>, vector<1x16xf32>,
      %get3A_738 = arith.index_cast %scan3A_677 : i32 to index
      %get3A_739 = arith.constant 80 : index
      %get3A_740 = tpu.vector_load %arg7[%get3A_738, %get3A_739] {strides = array<i32>} : memref<256x128xf32, #tpu.memory_space<vmem>>, vector<1x16xf32>,
      %get3A_741 = vector.shape_cast %get3A_740 : vector<1x16xf32> to vector<16xf32>
      %mul3A_742 = arith.constant 11.3137083 : f32
      %mul3A_743 = vector.broadcast %mul3A_742 : f32 to vector<16xf32>
      %mul3A_744 = arith.mulf %get3A_741, %mul3A_743 : vector<16xf32>
      %swap3A_745 = arith.index_cast %scan3A_677 : i32 to index
      %swap3A_746 = arith.constant 80 : index
      %swap3A_747 = tpu.vector_load %arg8[%swap3A_745, %swap3A_746] {strides = array<i32>} : memref<256x128xf32, #tpu.memory_space<vmem>>, vector<1x16xf32>,
      %swap3A_748 = vector.shape_cast %swap3A_747 : vector<1x16xf32> to vector<16xf32>
      %swap3A_749 = vector.shape_cast %mul3A_744 : vector<16xf32> to vector<1x16xf32>
      tpu.vector_store %arg8[%swap3A_745, %swap3A_746], %swap3A_749 {add = true, strides = array<i32>} : memref<256x128xf32, #tpu.memory_space<vmem>>, vector<1x16xf32>,
      %get3A_750 = arith.index_cast %scan3A_677 : i32 to index
      %get3A_751 = arith.constant 96 : index
      %get3A_752 = tpu.vector_load %arg7[%get3A_750, %get3A_751] {strides = array<i32>} : memref<256x128xf32, #tpu.memory_space<vmem>>, vector<1x16xf32>,
      %get3A_753 = vector.shape_cast %get3A_752 : vector<1x16xf32> to vector<16xf32>
      %mul3A_754 = arith.constant 11.3137083 : f32
      %mul3A_755 = vector.broadcast %mul3A_754 : f32 to vector<16xf32>
      %mul3A_756 = arith.mulf %get3A_753, %mul3A_755 : vector<16xf32>
      %swap3A_757 = arith.index_cast %scan3A_677 : i32 to index
      %swap3A_758 = arith.constant 96 : index
      %swap3A_759 = tpu.vector_load %arg8[%swap3A_757, %swap3A_758] {strides = array<i32>} : memref<256x128xf32, #tpu.memory_space<vmem>>, vector<1x16xf32>,
      %swap3A_760 = vector.shape_cast %swap3A_759 : vector<1x16xf32> to vector<16xf32>
      %swap3A_761 = vector.shape_cast %mul3A_756 : vector<16xf32> to vector<1x16xf32>
      tpu.vector_store %arg8[%swap3A_757, %swap3A_758], %swap3A_761 {add = true, strides = array<i32>} : memref<256x128xf32, #tpu.memory_space<vmem>>, vector<1x16xf32>,
      %get3A_762 = arith.index_cast %scan3A_677 : i32 to index
      %get3A_763 = arith.constant 112 : index
      %get3A_764 = tpu.vector_load %arg7[%get3A_762, %get3A_763] {strides = array<i32>} : memref<256x128xf32, #tpu.memory_space<vmem>>, vector<1x16xf32>,
      %get3A_765 = vector.shape_cast %get3A_764 : vector<1x16xf32> to vector<16xf32>
      %mul3A_766 = arith.constant 11.3137083 : f32
      %mul3A_767 = vector.broadcast %mul3A_766 : f32 to vector<16xf32>
      %mul3A_768 = arith.mulf %get3A_765, %mul3A_767 : vector<16xf32>
      %swap3A_769 = arith.index_cast %scan3A_677 : i32 to index
      %swap3A_770 = arith.constant 112 : index
      %swap3A_771 = tpu.vector_load %arg8[%swap3A_769, %swap3A_770] {strides = array<i32>} : memref<256x128xf32, #tpu.memory_space<vmem>>, vector<1x16xf32>,
      %swap3A_772 = vector.shape_cast %swap3A_771 : vector<1x16xf32> to vector<16xf32>
      %swap3A_773 = vector.shape_cast %mul3A_768 : vector<16xf32> to vector<1x16xf32>
      tpu.vector_store %arg8[%swap3A_769, %swap3A_770], %swap3A_773 {add = true, strides = array<i32>} : memref<256x128xf32, #tpu.memory_space<vmem>>, vector<1x16xf32>,
    }
    %scan3A_363 = arith.constant 64 : i32
    %add3A_364 = arith.constant 64 : i32
    %add3A_365 = arith.addi %add3A_32, %add3A_364 : i32
    %dma_start3A_366 = arith.constant 1 : i32
    %dma_start3A_367 = arith.constant 64 : i32
    %dma_start3A_368 = arith.constant 0 : i32
    %dma_start3A_369 = tpu.memref_slice %arg8[%dma_start3A_367, %dma_start3A_368] : memref<256x128xf32, #tpu.memory_space<vmem>> -> memref<64x128xf32, #tpu.memory_space<vmem>>
    %dma_start3A_370 = arith.constant 0 : i32
    %dma_start3A_371 = arith.constant 0 : i32
    %dma_start3A_372 = tpu.memref_slice %arg5[%select_n3A, %dma_start3A_370, %dma_start3A_371] : memref<4x2048x128xf32, #tpu.memory_space<hbm>> -> memref<1x2048x128xf32, #tpu.memory_space<hbm>>
    %dma_start3A_373 = tpu.memref_squeeze %dma_start3A_372 : memref<1x2048x128xf32, #tpu.memory_space<hbm>> -> memref<2048x128xf32, #tpu.memory_space<hbm>>
    %dma_start3A_374 = arith.constant 0 : i32
    %dma_start3A_375 = tpu.memref_slice %dma_start3A_373[%add3A_365, %dma_start3A_374] : memref<2048x128xf32, #tpu.memory_space<hbm>> -> memref<64x128xf32, #tpu.memory_space<hbm>>
    %dma_start3A_376 = tpu.memref_slice %arg13[%dma_start3A_366] : memref<4x!tpu.dma_semaphore, #tpu.memory_space<semaphore_mem>> -> memref<1x!tpu.dma_semaphore, #tpu.memory_space<semaphore_mem>>
    %dma_start3A_377 = tpu.memref_squeeze %dma_start3A_376 : memref<1x!tpu.dma_semaphore, #tpu.memory_space<semaphore_mem>> -> memref<!tpu.dma_semaphore, #tpu.memory_space<semaphore_mem>>
    %dma_start3A_378 = arith.constant 0 : i32
    %dma_start3A_379 = arith.constant 0 : i32
    %dma_start3A_380 = tpu.memref_slice %arg5[%select_n3A, %dma_start3A_378, %dma_start3A_379] : memref<4x2048x128xf32, #tpu.memory_space<hbm>> -> memref<1x2048x128xf32, #tpu.memory_space<hbm>>
    %dma_start3A_381 = tpu.memref_squeeze %dma_start3A_380 : memref<1x2048x128xf32, #tpu.memory_space<hbm>> -> memref<2048x128xf32, #tpu.memory_space<hbm>>
    %dma_start3A_382 = arith.constant 0 : i32
    %dma_start3A_383 = tpu.memref_slice %dma_start3A_381[%add3A_365, %dma_start3A_382] : memref<2048x128xf32, #tpu.memory_space<hbm>> -> memref<64x128xf32, #tpu.memory_space<hbm>>
    %dma_start3A_384 = arith.constant 64 : i32
    %dma_start3A_385 = arith.constant 0 : i32
    %dma_start3A_386 = tpu.memref_slice %arg8[%dma_start3A_384, %dma_start3A_385] : memref<256x128xf32, #tpu.memory_space<vmem>> -> memref<64x128xf32, #tpu.memory_space<vmem>>
    tpu.enqueue_dma source(%dma_start3A_386 : memref<64x128xf32, #tpu.memory_space<vmem>>) target(%dma_start3A_383 : memref<64x128xf32, #tpu.memory_space<hbm>>) target_semaphore(%dma_start3A_377 : memref<!tpu.dma_semaphore, #tpu.memory_space<semaphore_mem>>)
    %dma_wait3A_387 = arith.constant 2 : i32
    %dma_wait3A_388 = arith.constant 2 : i32
    %dma_wait3A_389 = arith.constant 128 : i32
    %dma_wait3A_390 = arith.constant 0 : i32
    %dma_wait3A_391 = tpu.memref_slice %arg7[%dma_wait3A_389, %dma_wait3A_390] : memref<256x128xf32, #tpu.memory_space<vmem>> -> memref<64x128xf32, #tpu.memory_space<vmem>>
    %dma_wait3A_392 = arith.constant 0 : i32
    %dma_wait3A_393 = tpu.memref_slice %arg6[%dma_wait3A_387, %dma_wait3A_392] : memref<4x64xi32, #tpu.memory_space<vmem>> -> memref<1x64xi32, #tpu.memory_space<vmem>>
    %dma_wait3A_394 = tpu.memref_squeeze %dma_wait3A_393 : memref<1x64xi32, #tpu.memory_space<vmem>> -> memref<64xi32, #tpu.memory_space<vmem>>
    %dma_wait3A_395 = arith.constant 0 : i32
    %dma_wait3A_396 = arith.constant 0 : i32
    %dma_wait3A_397 = tpu.memref_slice %arg3[%dma_wait3A_395, %dma_wait3A_396] : memref<100000x128xf32, #tpu.memory_space<hbm>> -> memref<100000x128xf32, #tpu.memory_space<hbm>>
    %dma_wait3A_398 = tpu.memref_slice %arg11[%dma_wait3A_388] : memref<4x!tpu.dma_semaphore, #tpu.memory_space<semaphore_mem>> -> memref<1x!tpu.dma_semaphore, #tpu.memory_space<semaphore_mem>>
    %dma_wait3A_399 = tpu.memref_squeeze %dma_wait3A_398 : memref<1x!tpu.dma_semaphore, #tpu.memory_space<semaphore_mem>> -> memref<!tpu.dma_semaphore, #tpu.memory_space<semaphore_mem>>
    tpu.wait_indirect_dma semaphore(%dma_wait3A_399 : memref<!tpu.dma_semaphore, #tpu.memory_space<semaphore_mem>>) src(%dma_wait3A_397 : memref<100000x128xf32, #tpu.memory_space<hbm>>) dst(%dma_wait3A_391 : memref<64x128xf32, #tpu.memory_space<vmem>>)
    %dma_wait3A_400 = arith.constant 2 : i32
    %dma_wait3A_401 = arith.constant 128 : i32
    %dma_wait3A_402 = arith.constant 0 : i32
    %dma_wait3A_403 = tpu.memref_slice %arg8[%dma_wait3A_401, %dma_wait3A_402] : memref<256x128xf32, #tpu.memory_space<vmem>> -> memref<64x128xf32, #tpu.memory_space<vmem>>
    %dma_wait3A_404 = arith.constant 0 : i32
    %dma_wait3A_405 = tpu.memref_slice %arg9[%add3A_249, %dma_wait3A_404] : memref<1024x128xf32, #tpu.memory_space<vmem_shared>> -> memref<64x128xf32, #tpu.memory_space<vmem_shared>>
    %dma_wait3A_406 = tpu.memref_slice %arg12[%dma_wait3A_400] : memref<4x!tpu.dma_semaphore, #tpu.memory_space<semaphore_mem>> -> memref<1x!tpu.dma_semaphore, #tpu.memory_space<semaphore_mem>>
    %dma_wait3A_407 = tpu.memref_squeeze %dma_wait3A_406 : memref<1x!tpu.dma_semaphore, #tpu.memory_space<semaphore_mem>> -> memref<!tpu.dma_semaphore, #tpu.memory_space<semaphore_mem>>
    %dma_wait3A_408 = arith.constant 128 : i32
    %dma_wait3A_409 = arith.constant 0 : i32
    %dma_wait3A_410 = tpu.memref_slice %arg8[%dma_wait3A_408, %dma_wait3A_409] : memref<256x128xf32, #tpu.memory_space<vmem>> -> memref<64x128xf32, #tpu.memory_space<vmem>>
    %dma_wait3A_411 = arith.constant 0 : i32
    %dma_wait3A_412 = tpu.memref_slice %arg9[%add3A_249, %dma_wait3A_411] : memref<1024x128xf32, #tpu.memory_space<vmem_shared>> -> memref<64x128xf32, #tpu.memory_space<vmem_shared>>
    tpu.wait_dma2 semaphore(%dma_wait3A_407 : memref<!tpu.dma_semaphore, #tpu.memory_space<semaphore_mem>>) src(%dma_wait3A_412 : memref<64x128xf32, #tpu.memory_space<vmem_shared>>) dst(%dma_wait3A_410 : memref<64x128xf32, #tpu.memory_space<vmem>>)
    %scan3A_413 = arith.constant 0 : i32
    %scan3A_414 = arith.constant 128 : i32
    %scan3A_415 = arith.constant 64 : i32
    %scan3A_416 = arith.addi %scan3A_414, %scan3A_415 : i32
    %scan3A_417 = arith.constant 2 : i32
    scf.for %scan3A_581 = %scan3A_414 to %scan3A_416 step %scan3A_417  : i32 {
      %get3A = arith.index_cast %scan3A_581 : i32 to index
      %get3A_582 = arith.constant 0 : index
      %get3A_583 = tpu.vector_load %arg7[%get3A, %get3A_582] {strides = array<i32>} : memref<256x128xf32, #tpu.memory_space<vmem>>, vector<1x16xf32>,
      %get3A_584 = vector.shape_cast %get3A_583 : vector<1x16xf32> to vector<16xf32>
      %mul3A_585 = arith.constant 11.3137083 : f32
      %mul3A_586 = vector.broadcast %mul3A_585 : f32 to vector<16xf32>
      %mul3A_587 = arith.mulf %get3A_584, %mul3A_586 : vector<16xf32>
      %swap3A = arith.index_cast %scan3A_581 : i32 to index
      %swap3A_588 = arith.constant 0 : index
      %swap3A_589 = tpu.vector_load %arg8[%swap3A, %swap3A_588] {strides = array<i32>} : memref<256x128xf32, #tpu.memory_space<vmem>>, vector<1x16xf32>,
      %swap3A_590 = vector.shape_cast %swap3A_589 : vector<1x16xf32> to vector<16xf32>
      %swap3A_591 = vector.shape_cast %mul3A_587 : vector<16xf32> to vector<1x16xf32>
      tpu.vector_store %arg8[%swap3A, %swap3A_588], %swap3A_591 {add = true, strides = array<i32>} : memref<256x128xf32, #tpu.memory_space<vmem>>, vector<1x16xf32>,
      %get3A_592 = arith.index_cast %scan3A_581 : i32 to index
      %get3A_593 = arith.constant 16 : index
      %get3A_594 = tpu.vector_load %arg7[%get3A_592, %get3A_593] {strides = array<i32>} : memref<256x128xf32, #tpu.memory_space<vmem>>, vector<1x16xf32>,
      %get3A_595 = vector.shape_cast %get3A_594 : vector<1x16xf32> to vector<16xf32>
      %mul3A_596 = arith.constant 11.3137083 : f32
      %mul3A_597 = vector.broadcast %mul3A_596 : f32 to vector<16xf32>
      %mul3A_598 = arith.mulf %get3A_595, %mul3A_597 : vector<16xf32>
      %swap3A_599 = arith.index_cast %scan3A_581 : i32 to index
      %swap3A_600 = arith.constant 16 : index
      %swap3A_601 = tpu.vector_load %arg8[%swap3A_599, %swap3A_600] {strides = array<i32>} : memref<256x128xf32, #tpu.memory_space<vmem>>, vector<1x16xf32>,
      %swap3A_602 = vector.shape_cast %swap3A_601 : vector<1x16xf32> to vector<16xf32>
      %swap3A_603 = vector.shape_cast %mul3A_598 : vector<16xf32> to vector<1x16xf32>
      tpu.vector_store %arg8[%swap3A_599, %swap3A_600], %swap3A_603 {add = true, strides = array<i32>} : memref<256x128xf32, #tpu.memory_space<vmem>>, vector<1x16xf32>,
      %get3A_604 = arith.index_cast %scan3A_581 : i32 to index
      %get3A_605 = arith.constant 32 : index
      %get3A_606 = tpu.vector_load %arg7[%get3A_604, %get3A_605] {strides = array<i32>} : memref<256x128xf32, #tpu.memory_space<vmem>>, vector<1x16xf32>,
      %get3A_607 = vector.shape_cast %get3A_606 : vector<1x16xf32> to vector<16xf32>
      %mul3A_608 = arith.constant 11.3137083 : f32
      %mul3A_609 = vector.broadcast %mul3A_608 : f32 to vector<16xf32>
      %mul3A_610 = arith.mulf %get3A_607, %mul3A_609 : vector<16xf32>
      %swap3A_611 = arith.index_cast %scan3A_581 : i32 to index
      %swap3A_612 = arith.constant 32 : index
      %swap3A_613 = tpu.vector_load %arg8[%swap3A_611, %swap3A_612] {strides = array<i32>} : memref<256x128xf32, #tpu.memory_space<vmem>>, vector<1x16xf32>,
      %swap3A_614 = vector.shape_cast %swap3A_613 : vector<1x16xf32> to vector<16xf32>
      %swap3A_615 = vector.shape_cast %mul3A_610 : vector<16xf32> to vector<1x16xf32>
      tpu.vector_store %arg8[%swap3A_611, %swap3A_612], %swap3A_615 {add = true, strides = array<i32>} : memref<256x128xf32, #tpu.memory_space<vmem>>, vector<1x16xf32>,
      %get3A_616 = arith.index_cast %scan3A_581 : i32 to index
      %get3A_617 = arith.constant 48 : index
      %get3A_618 = tpu.vector_load %arg7[%get3A_616, %get3A_617] {strides = array<i32>} : memref<256x128xf32, #tpu.memory_space<vmem>>, vector<1x16xf32>,
      %get3A_619 = vector.shape_cast %get3A_618 : vector<1x16xf32> to vector<16xf32>
      %mul3A_620 = arith.constant 11.3137083 : f32
      %mul3A_621 = vector.broadcast %mul3A_620 : f32 to vector<16xf32>
      %mul3A_622 = arith.mulf %get3A_619, %mul3A_621 : vector<16xf32>
      %swap3A_623 = arith.index_cast %scan3A_581 : i32 to index
      %swap3A_624 = arith.constant 48 : index
      %swap3A_625 = tpu.vector_load %arg8[%swap3A_623, %swap3A_624] {strides = array<i32>} : memref<256x128xf32, #tpu.memory_space<vmem>>, vector<1x16xf32>,
      %swap3A_626 = vector.shape_cast %swap3A_625 : vector<1x16xf32> to vector<16xf32>
      %swap3A_627 = vector.shape_cast %mul3A_622 : vector<16xf32> to vector<1x16xf32>
      tpu.vector_store %arg8[%swap3A_623, %swap3A_624], %swap3A_627 {add = true, strides = array<i32>} : memref<256x128xf32, #tpu.memory_space<vmem>>, vector<1x16xf32>,
      %get3A_628 = arith.index_cast %scan3A_581 : i32 to index
      %get3A_629 = arith.constant 64 : index
      %get3A_630 = tpu.vector_load %arg7[%get3A_628, %get3A_629] {strides = array<i32>} : memref<256x128xf32, #tpu.memory_space<vmem>>, vector<1x16xf32>,
      %get3A_631 = vector.shape_cast %get3A_630 : vector<1x16xf32> to vector<16xf32>
      %mul3A_632 = arith.constant 11.3137083 : f32
      %mul3A_633 = vector.broadcast %mul3A_632 : f32 to vector<16xf32>
      %mul3A_634 = arith.mulf %get3A_631, %mul3A_633 : vector<16xf32>
      %swap3A_635 = arith.index_cast %scan3A_581 : i32 to index
      %swap3A_636 = arith.constant 64 : index
      %swap3A_637 = tpu.vector_load %arg8[%swap3A_635, %swap3A_636] {strides = array<i32>} : memref<256x128xf32, #tpu.memory_space<vmem>>, vector<1x16xf32>,
      %swap3A_638 = vector.shape_cast %swap3A_637 : vector<1x16xf32> to vector<16xf32>
      %swap3A_639 = vector.shape_cast %mul3A_634 : vector<16xf32> to vector<1x16xf32>
      tpu.vector_store %arg8[%swap3A_635, %swap3A_636], %swap3A_639 {add = true, strides = array<i32>} : memref<256x128xf32, #tpu.memory_space<vmem>>, vector<1x16xf32>,
      %get3A_640 = arith.index_cast %scan3A_581 : i32 to index
      %get3A_641 = arith.constant 80 : index
      %get3A_642 = tpu.vector_load %arg7[%get3A_640, %get3A_641] {strides = array<i32>} : memref<256x128xf32, #tpu.memory_space<vmem>>, vector<1x16xf32>,
      %get3A_643 = vector.shape_cast %get3A_642 : vector<1x16xf32> to vector<16xf32>
      %mul3A_644 = arith.constant 11.3137083 : f32
      %mul3A_645 = vector.broadcast %mul3A_644 : f32 to vector<16xf32>
      %mul3A_646 = arith.mulf %get3A_643, %mul3A_645 : vector<16xf32>
      %swap3A_647 = arith.index_cast %scan3A_581 : i32 to index
      %swap3A_648 = arith.constant 80 : index
      %swap3A_649 = tpu.vector_load %arg8[%swap3A_647, %swap3A_648] {strides = array<i32>} : memref<256x128xf32, #tpu.memory_space<vmem>>, vector<1x16xf32>,
      %swap3A_650 = vector.shape_cast %swap3A_649 : vector<1x16xf32> to vector<16xf32>
      %swap3A_651 = vector.shape_cast %mul3A_646 : vector<16xf32> to vector<1x16xf32>
      tpu.vector_store %arg8[%swap3A_647, %swap3A_648], %swap3A_651 {add = true, strides = array<i32>} : memref<256x128xf32, #tpu.memory_space<vmem>>, vector<1x16xf32>,
      %get3A_652 = arith.index_cast %scan3A_581 : i32 to index
      %get3A_653 = arith.constant 96 : index
      %get3A_654 = tpu.vector_load %arg7[%get3A_652, %get3A_653] {strides = array<i32>} : memref<256x128xf32, #tpu.memory_space<vmem>>, vector<1x16xf32>,
      %get3A_655 = vector.shape_cast %get3A_654 : vector<1x16xf32> to vector<16xf32>
      %mul3A_656 = arith.constant 11.3137083 : f32
      %mul3A_657 = vector.broadcast %mul3A_656 : f32 to vector<16xf32>
      %mul3A_658 = arith.mulf %get3A_655, %mul3A_657 : vector<16xf32>
      %swap3A_659 = arith.index_cast %scan3A_581 : i32 to index
      %swap3A_660 = arith.constant 96 : index
      %swap3A_661 = tpu.vector_load %arg8[%swap3A_659, %swap3A_660] {strides = array<i32>} : memref<256x128xf32, #tpu.memory_space<vmem>>, vector<1x16xf32>,
      %swap3A_662 = vector.shape_cast %swap3A_661 : vector<1x16xf32> to vector<16xf32>
      %swap3A_663 = vector.shape_cast %mul3A_658 : vector<16xf32> to vector<1x16xf32>
      tpu.vector_store %arg8[%swap3A_659, %swap3A_660], %swap3A_663 {add = true, strides = array<i32>} : memref<256x128xf32, #tpu.memory_space<vmem>>, vector<1x16xf32>,
      %get3A_664 = arith.index_cast %scan3A_581 : i32 to index
      %get3A_665 = arith.constant 112 : index
      %get3A_666 = tpu.vector_load %arg7[%get3A_664, %get3A_665] {strides = array<i32>} : memref<256x128xf32, #tpu.memory_space<vmem>>, vector<1x16xf32>,
      %get3A_667 = vector.shape_cast %get3A_666 : vector<1x16xf32> to vector<16xf32>
      %mul3A_668 = arith.constant 11.3137083 : f32
      %mul3A_669 = vector.broadcast %mul3A_668 : f32 to vector<16xf32>
      %mul3A_670 = arith.mulf %get3A_667, %mul3A_669 : vector<16xf32>
      %swap3A_671 = arith.index_cast %scan3A_581 : i32 to index
      %swap3A_672 = arith.constant 112 : index
      %swap3A_673 = tpu.vector_load %arg8[%swap3A_671, %swap3A_672] {strides = array<i32>} : memref<256x128xf32, #tpu.memory_space<vmem>>, vector<1x16xf32>,
      %swap3A_674 = vector.shape_cast %swap3A_673 : vector<1x16xf32> to vector<16xf32>
      %swap3A_675 = vector.shape_cast %mul3A_670 : vector<16xf32> to vector<1x16xf32>
      tpu.vector_store %arg8[%swap3A_671, %swap3A_672], %swap3A_675 {add = true, strides = array<i32>} : memref<256x128xf32, #tpu.memory_space<vmem>>, vector<1x16xf32>,
      %scan3A_676 = arith.constant 1 : i32
      %scan3A_677 = arith.addi %scan3A_581, %scan3A_676 : i32
      %get3A_678 = arith.index_cast %scan3A_677 : i32 to index
      %get3A_679 = arith.constant 0 : index
      %get3A_680 = tpu.vector_load %arg7[%get3A_678, %get3A_679] {strides = array<i32>} : memref<256x128xf32, #tpu.memory_space<vmem>>, vector<1x16xf32>,
      %get3A_681 = vector.shape_cast %get3A_680 : vector<1x16xf32> to vector<16xf32>
      %mul3A_682 = arith.constant 11.3137083 : f32
      %mul3A_683 = vector.broadcast %mul3A_682 : f32 to vector<16xf32>
      %mul3A_684 = arith.mulf %get3A_681, %mul3A_683 : vector<16xf32>
      %swap3A_685 = arith.index_cast %scan3A_677 : i32 to index
      %swap3A_686 = arith.constant 0 : index
      %swap3A_687 = tpu.vector_load %arg8[%swap3A_685, %swap3A_686] {strides = array<i32>} : memref<256x128xf32, #tpu.memory_space<vmem>>, vector<1x16xf32>,
      %swap3A_688 = vector.shape_cast %swap3A_687 : vector<1x16xf32> to vector<16xf32>
      %swap3A_689 = vector.shape_cast %mul3A_684 : vector<16xf32> to vector<1x16xf32>
      tpu.vector_store %arg8[%swap3A_685, %swap3A_686], %swap3A_689 {add = true, strides = array<i32>} : memref<256x128xf32, #tpu.memory_space<vmem>>, vector<1x16xf32>,
      %get3A_690 = arith.index_cast %scan3A_677 : i32 to index
      %get3A_691 = arith.constant 16 : index
      %get3A_692 = tpu.vector_load %arg7[%get3A_690, %get3A_691] {strides = array<i32>} : memref<256x128xf32, #tpu.memory_space<vmem>>, vector<1x16xf32>,
      %get3A_693 = vector.shape_cast %get3A_692 : vector<1x16xf32> to vector<16xf32>
      %mul3A_694 = arith.constant 11.3137083 : f32
      %mul3A_695 = vector.broadcast %mul3A_694 : f32 to vector<16xf32>
      %mul3A_696 = arith.mulf %get3A_693, %mul3A_695 : vector<16xf32>
      %swap3A_697 = arith.index_cast %scan3A_677 : i32 to index
      %swap3A_698 = arith.constant 16 : index
      %swap3A_699 = tpu.vector_load %arg8[%swap3A_697, %swap3A_698] {strides = array<i32>} : memref<256x128xf32, #tpu.memory_space<vmem>>, vector<1x16xf32>,
      %swap3A_700 = vector.shape_cast %swap3A_699 : vector<1x16xf32> to vector<16xf32>
      %swap3A_701 = vector.shape_cast %mul3A_696 : vector<16xf32> to vector<1x16xf32>
      tpu.vector_store %arg8[%swap3A_697, %swap3A_698], %swap3A_701 {add = true, strides = array<i32>} : memref<256x128xf32, #tpu.memory_space<vmem>>, vector<1x16xf32>,
      %get3A_702 = arith.index_cast %scan3A_677 : i32 to index
      %get3A_703 = arith.constant 32 : index
      %get3A_704 = tpu.vector_load %arg7[%get3A_702, %get3A_703] {strides = array<i32>} : memref<256x128xf32, #tpu.memory_space<vmem>>, vector<1x16xf32>,
      %get3A_705 = vector.shape_cast %get3A_704 : vector<1x16xf32> to vector<16xf32>
      %mul3A_706 = arith.constant 11.3137083 : f32
      %mul3A_707 = vector.broadcast %mul3A_706 : f32 to vector<16xf32>
      %mul3A_708 = arith.mulf %get3A_705, %mul3A_707 : vector<16xf32>
      %swap3A_709 = arith.index_cast %scan3A_677 : i32 to index
      %swap3A_710 = arith.constant 32 : index
      %swap3A_711 = tpu.vector_load %arg8[%swap3A_709, %swap3A_710] {strides = array<i32>} : memref<256x128xf32, #tpu.memory_space<vmem>>, vector<1x16xf32>,
      %swap3A_712 = vector.shape_cast %swap3A_711 : vector<1x16xf32> to vector<16xf32>
      %swap3A_713 = vector.shape_cast %mul3A_708 : vector<16xf32> to vector<1x16xf32>
      tpu.vector_store %arg8[%swap3A_709, %swap3A_710], %swap3A_713 {add = true, strides = array<i32>} : memref<256x128xf32, #tpu.memory_space<vmem>>, vector<1x16xf32>,
      %get3A_714 = arith.index_cast %scan3A_677 : i32 to index
      %get3A_715 = arith.constant 48 : index
      %get3A_716 = tpu.vector_load %arg7[%get3A_714, %get3A_715] {strides = array<i32>} : memref<256x128xf32, #tpu.memory_space<vmem>>, vector<1x16xf32>,
      %get3A_717 = vector.shape_cast %get3A_716 : vector<1x16xf32> to vector<16xf32>
      %mul3A_718 = arith.constant 11.3137083 : f32
      %mul3A_719 = vector.broadcast %mul3A_718 : f32 to vector<16xf32>
      %mul3A_720 = arith.mulf %get3A_717, %mul3A_719 : vector<16xf32>
      %swap3A_721 = arith.index_cast %scan3A_677 : i32 to index
      %swap3A_722 = arith.constant 48 : index
      %swap3A_723 = tpu.vector_load %arg8[%swap3A_721, %swap3A_722] {strides = array<i32>} : memref<256x128xf32, #tpu.memory_space<vmem>>, vector<1x16xf32>,
      %swap3A_724 = vector.shape_cast %swap3A_723 : vector<1x16xf32> to vector<16xf32>
      %swap3A_725 = vector.shape_cast %mul3A_720 : vector<16xf32> to vector<1x16xf32>
      tpu.vector_store %arg8[%swap3A_721, %swap3A_722], %swap3A_725 {add = true, strides = array<i32>} : memref<256x128xf32, #tpu.memory_space<vmem>>, vector<1x16xf32>,
      %get3A_726 = arith.index_cast %scan3A_677 : i32 to index
      %get3A_727 = arith.constant 64 : index
      %get3A_728 = tpu.vector_load %arg7[%get3A_726, %get3A_727] {strides = array<i32>} : memref<256x128xf32, #tpu.memory_space<vmem>>, vector<1x16xf32>,
      %get3A_729 = vector.shape_cast %get3A_728 : vector<1x16xf32> to vector<16xf32>
      %mul3A_730 = arith.constant 11.3137083 : f32
      %mul3A_731 = vector.broadcast %mul3A_730 : f32 to vector<16xf32>
      %mul3A_732 = arith.mulf %get3A_729, %mul3A_731 : vector<16xf32>
      %swap3A_733 = arith.index_cast %scan3A_677 : i32 to index
      %swap3A_734 = arith.constant 64 : index
      %swap3A_735 = tpu.vector_load %arg8[%swap3A_733, %swap3A_734] {strides = array<i32>} : memref<256x128xf32, #tpu.memory_space<vmem>>, vector<1x16xf32>,
      %swap3A_736 = vector.shape_cast %swap3A_735 : vector<1x16xf32> to vector<16xf32>
      %swap3A_737 = vector.shape_cast %mul3A_732 : vector<16xf32> to vector<1x16xf32>
      tpu.vector_store %arg8[%swap3A_733, %swap3A_734], %swap3A_737 {add = true, strides = array<i32>} : memref<256x128xf32, #tpu.memory_space<vmem>>, vector<1x16xf32>,
      %get3A_738 = arith.index_cast %scan3A_677 : i32 to index
      %get3A_739 = arith.constant 80 : index
      %get3A_740 = tpu.vector_load %arg7[%get3A_738, %get3A_739] {strides = array<i32>} : memref<256x128xf32, #tpu.memory_space<vmem>>, vector<1x16xf32>,
      %get3A_741 = vector.shape_cast %get3A_740 : vector<1x16xf32> to vector<16xf32>
      %mul3A_742 = arith.constant 11.3137083 : f32
      %mul3A_743 = vector.broadcast %mul3A_742 : f32 to vector<16xf32>
      %mul3A_744 = arith.mulf %get3A_741, %mul3A_743 : vector<16xf32>
      %swap3A_745 = arith.index_cast %scan3A_677 : i32 to index
      %swap3A_746 = arith.constant 80 : index
      %swap3A_747 = tpu.vector_load %arg8[%swap3A_745, %swap3A_746] {strides = array<i32>} : memref<256x128xf32, #tpu.memory_space<vmem>>, vector<1x16xf32>,
      %swap3A_748 = vector.shape_cast %swap3A_747 : vector<1x16xf32> to vector<16xf32>
      %swap3A_749 = vector.shape_cast %mul3A_744 : vector<16xf32> to vector<1x16xf32>
      tpu.vector_store %arg8[%swap3A_745, %swap3A_746], %swap3A_749 {add = true, strides = array<i32>} : memref<256x128xf32, #tpu.memory_space<vmem>>, vector<1x16xf32>,
      %get3A_750 = arith.index_cast %scan3A_677 : i32 to index
      %get3A_751 = arith.constant 96 : index
      %get3A_752 = tpu.vector_load %arg7[%get3A_750, %get3A_751] {strides = array<i32>} : memref<256x128xf32, #tpu.memory_space<vmem>>, vector<1x16xf32>,
      %get3A_753 = vector.shape_cast %get3A_752 : vector<1x16xf32> to vector<16xf32>
      %mul3A_754 = arith.constant 11.3137083 : f32
      %mul3A_755 = vector.broadcast %mul3A_754 : f32 to vector<16xf32>
      %mul3A_756 = arith.mulf %get3A_753, %mul3A_755 : vector<16xf32>
      %swap3A_757 = arith.index_cast %scan3A_677 : i32 to index
      %swap3A_758 = arith.constant 96 : index
      %swap3A_759 = tpu.vector_load %arg8[%swap3A_757, %swap3A_758] {strides = array<i32>} : memref<256x128xf32, #tpu.memory_space<vmem>>, vector<1x16xf32>,
      %swap3A_760 = vector.shape_cast %swap3A_759 : vector<1x16xf32> to vector<16xf32>
      %swap3A_761 = vector.shape_cast %mul3A_756 : vector<16xf32> to vector<1x16xf32>
      tpu.vector_store %arg8[%swap3A_757, %swap3A_758], %swap3A_761 {add = true, strides = array<i32>} : memref<256x128xf32, #tpu.memory_space<vmem>>, vector<1x16xf32>,
      %get3A_762 = arith.index_cast %scan3A_677 : i32 to index
      %get3A_763 = arith.constant 112 : index
      %get3A_764 = tpu.vector_load %arg7[%get3A_762, %get3A_763] {strides = array<i32>} : memref<256x128xf32, #tpu.memory_space<vmem>>, vector<1x16xf32>,
      %get3A_765 = vector.shape_cast %get3A_764 : vector<1x16xf32> to vector<16xf32>
      %mul3A_766 = arith.constant 11.3137083 : f32
      %mul3A_767 = vector.broadcast %mul3A_766 : f32 to vector<16xf32>
      %mul3A_768 = arith.mulf %get3A_765, %mul3A_767 : vector<16xf32>
      %swap3A_769 = arith.index_cast %scan3A_677 : i32 to index
      %swap3A_770 = arith.constant 112 : index
      %swap3A_771 = tpu.vector_load %arg8[%swap3A_769, %swap3A_770] {strides = array<i32>} : memref<256x128xf32, #tpu.memory_space<vmem>>, vector<1x16xf32>,
      %swap3A_772 = vector.shape_cast %swap3A_771 : vector<1x16xf32> to vector<16xf32>
      %swap3A_773 = vector.shape_cast %mul3A_768 : vector<16xf32> to vector<1x16xf32>
      tpu.vector_store %arg8[%swap3A_769, %swap3A_770], %swap3A_773 {add = true, strides = array<i32>} : memref<256x128xf32, #tpu.memory_space<vmem>>, vector<1x16xf32>,
    }
    %scan3A_418 = arith.constant 64 : i32
    %add3A_419 = arith.constant 128 : i32
    %add3A_420 = arith.addi %add3A_32, %add3A_419 : i32
    %dma_start3A_421 = arith.constant 2 : i32
    %dma_start3A_422 = arith.constant 128 : i32
    %dma_start3A_423 = arith.constant 0 : i32
    %dma_start3A_424 = tpu.memref_slice %arg8[%dma_start3A_422, %dma_start3A_423] : memref<256x128xf32, #tpu.memory_space<vmem>> -> memref<64x128xf32, #tpu.memory_space<vmem>>
    %dma_start3A_425 = arith.constant 0 : i32
    %dma_start3A_426 = arith.constant 0 : i32
    %dma_start3A_427 = tpu.memref_slice %arg5[%select_n3A, %dma_start3A_425, %dma_start3A_426] : memref<4x2048x128xf32, #tpu.memory_space<hbm>> -> memref<1x2048x128xf32, #tpu.memory_space<hbm>>
    %dma_start3A_428 = tpu.memref_squeeze %dma_start3A_427 : memref<1x2048x128xf32, #tpu.memory_space<hbm>> -> memref<2048x128xf32, #tpu.memory_space<hbm>>
    %dma_start3A_429 = arith.constant 0 : i32
    %dma_start3A_430 = tpu.memref_slice %dma_start3A_428[%add3A_420, %dma_start3A_429] : memref<2048x128xf32, #tpu.memory_space<hbm>> -> memref<64x128xf32, #tpu.memory_space<hbm>>
    %dma_start3A_431 = tpu.memref_slice %arg13[%dma_start3A_421] : memref<4x!tpu.dma_semaphore, #tpu.memory_space<semaphore_mem>> -> memref<1x!tpu.dma_semaphore, #tpu.memory_space<semaphore_mem>>
    %dma_start3A_432 = tpu.memref_squeeze %dma_start3A_431 : memref<1x!tpu.dma_semaphore, #tpu.memory_space<semaphore_mem>> -> memref<!tpu.dma_semaphore, #tpu.memory_space<semaphore_mem>>
    %dma_start3A_433 = arith.constant 0 : i32
    %dma_start3A_434 = arith.constant 0 : i32
    %dma_start3A_435 = tpu.memref_slice %arg5[%select_n3A, %dma_start3A_433, %dma_start3A_434] : memref<4x2048x128xf32, #tpu.memory_space<hbm>> -> memref<1x2048x128xf32, #tpu.memory_space<hbm>>
    %dma_start3A_436 = tpu.memref_squeeze %dma_start3A_435 : memref<1x2048x128xf32, #tpu.memory_space<hbm>> -> memref<2048x128xf32, #tpu.memory_space<hbm>>
    %dma_start3A_437 = arith.constant 0 : i32
    %dma_start3A_438 = tpu.memref_slice %dma_start3A_436[%add3A_420, %dma_start3A_437] : memref<2048x128xf32, #tpu.memory_space<hbm>> -> memref<64x128xf32, #tpu.memory_space<hbm>>
    %dma_start3A_439 = arith.constant 128 : i32
    %dma_start3A_440 = arith.constant 0 : i32
    %dma_start3A_441 = tpu.memref_slice %arg8[%dma_start3A_439, %dma_start3A_440] : memref<256x128xf32, #tpu.memory_space<vmem>> -> memref<64x128xf32, #tpu.memory_space<vmem>>
    tpu.enqueue_dma source(%dma_start3A_441 : memref<64x128xf32, #tpu.memory_space<vmem>>) target(%dma_start3A_438 : memref<64x128xf32, #tpu.memory_space<hbm>>) target_semaphore(%dma_start3A_432 : memref<!tpu.dma_semaphore, #tpu.memory_space<semaphore_mem>>)
    %dma_wait3A_442 = arith.constant 3 : i32
    %dma_wait3A_443 = arith.constant 3 : i32
    %dma_wait3A_444 = arith.constant 192 : i32
    %dma_wait3A_445 = arith.constant 0 : i32
    %dma_wait3A_446 = tpu.memref_slice %arg7[%dma_wait3A_444, %dma_wait3A_445] : memref<256x128xf32, #tpu.memory_space<vmem>> -> memref<64x128xf32, #tpu.memory_space<vmem>>
    %dma_wait3A_447 = arith.constant 0 : i32
    %dma_wait3A_448 = tpu.memref_slice %arg6[%dma_wait3A_442, %dma_wait3A_447] : memref<4x64xi32, #tpu.memory_space<vmem>> -> memref<1x64xi32, #tpu.memory_space<vmem>>
    %dma_wait3A_449 = tpu.memref_squeeze %dma_wait3A_448 : memref<1x64xi32, #tpu.memory_space<vmem>> -> memref<64xi32, #tpu.memory_space<vmem>>
    %dma_wait3A_450 = arith.constant 0 : i32
    %dma_wait3A_451 = arith.constant 0 : i32
    %dma_wait3A_452 = tpu.memref_slice %arg3[%dma_wait3A_450, %dma_wait3A_451] : memref<100000x128xf32, #tpu.memory_space<hbm>> -> memref<100000x128xf32, #tpu.memory_space<hbm>>
    %dma_wait3A_453 = tpu.memref_slice %arg11[%dma_wait3A_443] : memref<4x!tpu.dma_semaphore, #tpu.memory_space<semaphore_mem>> -> memref<1x!tpu.dma_semaphore, #tpu.memory_space<semaphore_mem>>
    %dma_wait3A_454 = tpu.memref_squeeze %dma_wait3A_453 : memref<1x!tpu.dma_semaphore, #tpu.memory_space<semaphore_mem>> -> memref<!tpu.dma_semaphore, #tpu.memory_space<semaphore_mem>>
    tpu.wait_indirect_dma semaphore(%dma_wait3A_454 : memref<!tpu.dma_semaphore, #tpu.memory_space<semaphore_mem>>) src(%dma_wait3A_452 : memref<100000x128xf32, #tpu.memory_space<hbm>>) dst(%dma_wait3A_446 : memref<64x128xf32, #tpu.memory_space<vmem>>)
    %dma_wait3A_455 = arith.constant 3 : i32
    %dma_wait3A_456 = arith.constant 192 : i32
    %dma_wait3A_457 = arith.constant 0 : i32
    %dma_wait3A_458 = tpu.memref_slice %arg8[%dma_wait3A_456, %dma_wait3A_457] : memref<256x128xf32, #tpu.memory_space<vmem>> -> memref<64x128xf32, #tpu.memory_space<vmem>>
    %dma_wait3A_459 = arith.constant 0 : i32
    %dma_wait3A_460 = tpu.memref_slice %arg9[%add3A_264, %dma_wait3A_459] : memref<1024x128xf32, #tpu.memory_space<vmem_shared>> -> memref<64x128xf32, #tpu.memory_space<vmem_shared>>
    %dma_wait3A_461 = tpu.memref_slice %arg12[%dma_wait3A_455] : memref<4x!tpu.dma_semaphore, #tpu.memory_space<semaphore_mem>> -> memref<1x!tpu.dma_semaphore, #tpu.memory_space<semaphore_mem>>
    %dma_wait3A_462 = tpu.memref_squeeze %dma_wait3A_461 : memref<1x!tpu.dma_semaphore, #tpu.memory_space<semaphore_mem>> -> memref<!tpu.dma_semaphore, #tpu.memory_space<semaphore_mem>>
    %dma_wait3A_463 = arith.constant 192 : i32
    %dma_wait3A_464 = arith.constant 0 : i32
    %dma_wait3A_465 = tpu.memref_slice %arg8[%dma_wait3A_463, %dma_wait3A_464] : memref<256x128xf32, #tpu.memory_space<vmem>> -> memref<64x128xf32, #tpu.memory_space<vmem>>
    %dma_wait3A_466 = arith.constant 0 : i32
    %dma_wait3A_467 = tpu.memref_slice %arg9[%add3A_264, %dma_wait3A_466] : memref<1024x128xf32, #tpu.memory_space<vmem_shared>> -> memref<64x128xf32, #tpu.memory_space<vmem_shared>>
    tpu.wait_dma2 semaphore(%dma_wait3A_462 : memref<!tpu.dma_semaphore, #tpu.memory_space<semaphore_mem>>) src(%dma_wait3A_467 : memref<64x128xf32, #tpu.memory_space<vmem_shared>>) dst(%dma_wait3A_465 : memref<64x128xf32, #tpu.memory_space<vmem>>)
    %scan3A_468 = arith.constant 0 : i32
    %scan3A_469 = arith.constant 192 : i32
    %scan3A_470 = arith.constant 64 : i32
    %scan3A_471 = arith.addi %scan3A_469, %scan3A_470 : i32
    %scan3A_472 = arith.constant 2 : i32
    scf.for %scan3A_581 = %scan3A_469 to %scan3A_471 step %scan3A_472  : i32 {
      %get3A = arith.index_cast %scan3A_581 : i32 to index
      %get3A_582 = arith.constant 0 : index
      %get3A_583 = tpu.vector_load %arg7[%get3A, %get3A_582] {strides = array<i32>} : memref<256x128xf32, #tpu.memory_space<vmem>>, vector<1x16xf32>,
      %get3A_584 = vector.shape_cast %get3A_583 : vector<1x16xf32> to vector<16xf32>
      %mul3A_585 = arith.constant 11.3137083 : f32
      %mul3A_586 = vector.broadcast %mul3A_585 : f32 to vector<16xf32>
      %mul3A_587 = arith.mulf %get3A_584, %mul3A_586 : vector<16xf32>
      %swap3A = arith.index_cast %scan3A_581 : i32 to index
      %swap3A_588 = arith.constant 0 : index
      %swap3A_589 = tpu.vector_load %arg8[%swap3A, %swap3A_588] {strides = array<i32>} : memref<256x128xf32, #tpu.memory_space<vmem>>, vector<1x16xf32>,
      %swap3A_590 = vector.shape_cast %swap3A_589 : vector<1x16xf32> to vector<16xf32>
      %swap3A_591 = vector.shape_cast %mul3A_587 : vector<16xf32> to vector<1x16xf32>
      tpu.vector_store %arg8[%swap3A, %swap3A_588], %swap3A_591 {add = true, strides = array<i32>} : memref<256x128xf32, #tpu.memory_space<vmem>>, vector<1x16xf32>,
      %get3A_592 = arith.index_cast %scan3A_581 : i32 to index
      %get3A_593 = arith.constant 16 : index
      %get3A_594 = tpu.vector_load %arg7[%get3A_592, %get3A_593] {strides = array<i32>} : memref<256x128xf32, #tpu.memory_space<vmem>>, vector<1x16xf32>,
      %get3A_595 = vector.shape_cast %get3A_594 : vector<1x16xf32> to vector<16xf32>
      %mul3A_596 = arith.constant 11.3137083 : f32
      %mul3A_597 = vector.broadcast %mul3A_596 : f32 to vector<16xf32>
      %mul3A_598 = arith.mulf %get3A_595, %mul3A_597 : vector<16xf32>
      %swap3A_599 = arith.index_cast %scan3A_581 : i32 to index
      %swap3A_600 = arith.constant 16 : index
      %swap3A_601 = tpu.vector_load %arg8[%swap3A_599, %swap3A_600] {strides = array<i32>} : memref<256x128xf32, #tpu.memory_space<vmem>>, vector<1x16xf32>,
      %swap3A_602 = vector.shape_cast %swap3A_601 : vector<1x16xf32> to vector<16xf32>
      %swap3A_603 = vector.shape_cast %mul3A_598 : vector<16xf32> to vector<1x16xf32>
      tpu.vector_store %arg8[%swap3A_599, %swap3A_600], %swap3A_603 {add = true, strides = array<i32>} : memref<256x128xf32, #tpu.memory_space<vmem>>, vector<1x16xf32>,
      %get3A_604 = arith.index_cast %scan3A_581 : i32 to index
      %get3A_605 = arith.constant 32 : index
      %get3A_606 = tpu.vector_load %arg7[%get3A_604, %get3A_605] {strides = array<i32>} : memref<256x128xf32, #tpu.memory_space<vmem>>, vector<1x16xf32>,
      %get3A_607 = vector.shape_cast %get3A_606 : vector<1x16xf32> to vector<16xf32>
      %mul3A_608 = arith.constant 11.3137083 : f32
      %mul3A_609 = vector.broadcast %mul3A_608 : f32 to vector<16xf32>
      %mul3A_610 = arith.mulf %get3A_607, %mul3A_609 : vector<16xf32>
      %swap3A_611 = arith.index_cast %scan3A_581 : i32 to index
      %swap3A_612 = arith.constant 32 : index
      %swap3A_613 = tpu.vector_load %arg8[%swap3A_611, %swap3A_612] {strides = array<i32>} : memref<256x128xf32, #tpu.memory_space<vmem>>, vector<1x16xf32>,
      %swap3A_614 = vector.shape_cast %swap3A_613 : vector<1x16xf32> to vector<16xf32>
      %swap3A_615 = vector.shape_cast %mul3A_610 : vector<16xf32> to vector<1x16xf32>
      tpu.vector_store %arg8[%swap3A_611, %swap3A_612], %swap3A_615 {add = true, strides = array<i32>} : memref<256x128xf32, #tpu.memory_space<vmem>>, vector<1x16xf32>,
      %get3A_616 = arith.index_cast %scan3A_581 : i32 to index
      %get3A_617 = arith.constant 48 : index
      %get3A_618 = tpu.vector_load %arg7[%get3A_616, %get3A_617] {strides = array<i32>} : memref<256x128xf32, #tpu.memory_space<vmem>>, vector<1x16xf32>,
      %get3A_619 = vector.shape_cast %get3A_618 : vector<1x16xf32> to vector<16xf32>
      %mul3A_620 = arith.constant 11.3137083 : f32
      %mul3A_621 = vector.broadcast %mul3A_620 : f32 to vector<16xf32>
      %mul3A_622 = arith.mulf %get3A_619, %mul3A_621 : vector<16xf32>
      %swap3A_623 = arith.index_cast %scan3A_581 : i32 to index
      %swap3A_624 = arith.constant 48 : index
      %swap3A_625 = tpu.vector_load %arg8[%swap3A_623, %swap3A_624] {strides = array<i32>} : memref<256x128xf32, #tpu.memory_space<vmem>>, vector<1x16xf32>,
      %swap3A_626 = vector.shape_cast %swap3A_625 : vector<1x16xf32> to vector<16xf32>
      %swap3A_627 = vector.shape_cast %mul3A_622 : vector<16xf32> to vector<1x16xf32>
      tpu.vector_store %arg8[%swap3A_623, %swap3A_624], %swap3A_627 {add = true, strides = array<i32>} : memref<256x128xf32, #tpu.memory_space<vmem>>, vector<1x16xf32>,
      %get3A_628 = arith.index_cast %scan3A_581 : i32 to index
      %get3A_629 = arith.constant 64 : index
      %get3A_630 = tpu.vector_load %arg7[%get3A_628, %get3A_629] {strides = array<i32>} : memref<256x128xf32, #tpu.memory_space<vmem>>, vector<1x16xf32>,
      %get3A_631 = vector.shape_cast %get3A_630 : vector<1x16xf32> to vector<16xf32>
      %mul3A_632 = arith.constant 11.3137083 : f32
      %mul3A_633 = vector.broadcast %mul3A_632 : f32 to vector<16xf32>
      %mul3A_634 = arith.mulf %get3A_631, %mul3A_633 : vector<16xf32>
      %swap3A_635 = arith.index_cast %scan3A_581 : i32 to index
      %swap3A_636 = arith.constant 64 : index
      %swap3A_637 = tpu.vector_load %arg8[%swap3A_635, %swap3A_636] {strides = array<i32>} : memref<256x128xf32, #tpu.memory_space<vmem>>, vector<1x16xf32>,
      %swap3A_638 = vector.shape_cast %swap3A_637 : vector<1x16xf32> to vector<16xf32>
      %swap3A_639 = vector.shape_cast %mul3A_634 : vector<16xf32> to vector<1x16xf32>
      tpu.vector_store %arg8[%swap3A_635, %swap3A_636], %swap3A_639 {add = true, strides = array<i32>} : memref<256x128xf32, #tpu.memory_space<vmem>>, vector<1x16xf32>,
      %get3A_640 = arith.index_cast %scan3A_581 : i32 to index
      %get3A_641 = arith.constant 80 : index
      %get3A_642 = tpu.vector_load %arg7[%get3A_640, %get3A_641] {strides = array<i32>} : memref<256x128xf32, #tpu.memory_space<vmem>>, vector<1x16xf32>,
      %get3A_643 = vector.shape_cast %get3A_642 : vector<1x16xf32> to vector<16xf32>
      %mul3A_644 = arith.constant 11.3137083 : f32
      %mul3A_645 = vector.broadcast %mul3A_644 : f32 to vector<16xf32>
      %mul3A_646 = arith.mulf %get3A_643, %mul3A_645 : vector<16xf32>
      %swap3A_647 = arith.index_cast %scan3A_581 : i32 to index
      %swap3A_648 = arith.constant 80 : index
      %swap3A_649 = tpu.vector_load %arg8[%swap3A_647, %swap3A_648] {strides = array<i32>} : memref<256x128xf32, #tpu.memory_space<vmem>>, vector<1x16xf32>,
      %swap3A_650 = vector.shape_cast %swap3A_649 : vector<1x16xf32> to vector<16xf32>
      %swap3A_651 = vector.shape_cast %mul3A_646 : vector<16xf32> to vector<1x16xf32>
      tpu.vector_store %arg8[%swap3A_647, %swap3A_648], %swap3A_651 {add = true, strides = array<i32>} : memref<256x128xf32, #tpu.memory_space<vmem>>, vector<1x16xf32>,
      %get3A_652 = arith.index_cast %scan3A_581 : i32 to index
      %get3A_653 = arith.constant 96 : index
      %get3A_654 = tpu.vector_load %arg7[%get3A_652, %get3A_653] {strides = array<i32>} : memref<256x128xf32, #tpu.memory_space<vmem>>, vector<1x16xf32>,
      %get3A_655 = vector.shape_cast %get3A_654 : vector<1x16xf32> to vector<16xf32>
      %mul3A_656 = arith.constant 11.3137083 : f32
      %mul3A_657 = vector.broadcast %mul3A_656 : f32 to vector<16xf32>
      %mul3A_658 = arith.mulf %get3A_655, %mul3A_657 : vector<16xf32>
      %swap3A_659 = arith.index_cast %scan3A_581 : i32 to index
      %swap3A_660 = arith.constant 96 : index
      %swap3A_661 = tpu.vector_load %arg8[%swap3A_659, %swap3A_660] {strides = array<i32>} : memref<256x128xf32, #tpu.memory_space<vmem>>, vector<1x16xf32>,
      %swap3A_662 = vector.shape_cast %swap3A_661 : vector<1x16xf32> to vector<16xf32>
      %swap3A_663 = vector.shape_cast %mul3A_658 : vector<16xf32> to vector<1x16xf32>
      tpu.vector_store %arg8[%swap3A_659, %swap3A_660], %swap3A_663 {add = true, strides = array<i32>} : memref<256x128xf32, #tpu.memory_space<vmem>>, vector<1x16xf32>,
      %get3A_664 = arith.index_cast %scan3A_581 : i32 to index
      %get3A_665 = arith.constant 112 : index
      %get3A_666 = tpu.vector_load %arg7[%get3A_664, %get3A_665] {strides = array<i32>} : memref<256x128xf32, #tpu.memory_space<vmem>>, vector<1x16xf32>,
      %get3A_667 = vector.shape_cast %get3A_666 : vector<1x16xf32> to vector<16xf32>
      %mul3A_668 = arith.constant 11.3137083 : f32
      %mul3A_669 = vector.broadcast %mul3A_668 : f32 to vector<16xf32>
      %mul3A_670 = arith.mulf %get3A_667, %mul3A_669 : vector<16xf32>
      %swap3A_671 = arith.index_cast %scan3A_581 : i32 to index
      %swap3A_672 = arith.constant 112 : index
      %swap3A_673 = tpu.vector_load %arg8[%swap3A_671, %swap3A_672] {strides = array<i32>} : memref<256x128xf32, #tpu.memory_space<vmem>>, vector<1x16xf32>,
      %swap3A_674 = vector.shape_cast %swap3A_673 : vector<1x16xf32> to vector<16xf32>
      %swap3A_675 = vector.shape_cast %mul3A_670 : vector<16xf32> to vector<1x16xf32>
      tpu.vector_store %arg8[%swap3A_671, %swap3A_672], %swap3A_675 {add = true, strides = array<i32>} : memref<256x128xf32, #tpu.memory_space<vmem>>, vector<1x16xf32>,
      %scan3A_676 = arith.constant 1 : i32
      %scan3A_677 = arith.addi %scan3A_581, %scan3A_676 : i32
      %get3A_678 = arith.index_cast %scan3A_677 : i32 to index
      %get3A_679 = arith.constant 0 : index
      %get3A_680 = tpu.vector_load %arg7[%get3A_678, %get3A_679] {strides = array<i32>} : memref<256x128xf32, #tpu.memory_space<vmem>>, vector<1x16xf32>,
      %get3A_681 = vector.shape_cast %get3A_680 : vector<1x16xf32> to vector<16xf32>
      %mul3A_682 = arith.constant 11.3137083 : f32
      %mul3A_683 = vector.broadcast %mul3A_682 : f32 to vector<16xf32>
      %mul3A_684 = arith.mulf %get3A_681, %mul3A_683 : vector<16xf32>
      %swap3A_685 = arith.index_cast %scan3A_677 : i32 to index
      %swap3A_686 = arith.constant 0 : index
      %swap3A_687 = tpu.vector_load %arg8[%swap3A_685, %swap3A_686] {strides = array<i32>} : memref<256x128xf32, #tpu.memory_space<vmem>>, vector<1x16xf32>,
      %swap3A_688 = vector.shape_cast %swap3A_687 : vector<1x16xf32> to vector<16xf32>
      %swap3A_689 = vector.shape_cast %mul3A_684 : vector<16xf32> to vector<1x16xf32>
      tpu.vector_store %arg8[%swap3A_685, %swap3A_686], %swap3A_689 {add = true, strides = array<i32>} : memref<256x128xf32, #tpu.memory_space<vmem>>, vector<1x16xf32>,
      %get3A_690 = arith.index_cast %scan3A_677 : i32 to index
      %get3A_691 = arith.constant 16 : index
      %get3A_692 = tpu.vector_load %arg7[%get3A_690, %get3A_691] {strides = array<i32>} : memref<256x128xf32, #tpu.memory_space<vmem>>, vector<1x16xf32>,
      %get3A_693 = vector.shape_cast %get3A_692 : vector<1x16xf32> to vector<16xf32>
      %mul3A_694 = arith.constant 11.3137083 : f32
      %mul3A_695 = vector.broadcast %mul3A_694 : f32 to vector<16xf32>
      %mul3A_696 = arith.mulf %get3A_693, %mul3A_695 : vector<16xf32>
      %swap3A_697 = arith.index_cast %scan3A_677 : i32 to index
      %swap3A_698 = arith.constant 16 : index
      %swap3A_699 = tpu.vector_load %arg8[%swap3A_697, %swap3A_698] {strides = array<i32>} : memref<256x128xf32, #tpu.memory_space<vmem>>, vector<1x16xf32>,
      %swap3A_700 = vector.shape_cast %swap3A_699 : vector<1x16xf32> to vector<16xf32>
      %swap3A_701 = vector.shape_cast %mul3A_696 : vector<16xf32> to vector<1x16xf32>
      tpu.vector_store %arg8[%swap3A_697, %swap3A_698], %swap3A_701 {add = true, strides = array<i32>} : memref<256x128xf32, #tpu.memory_space<vmem>>, vector<1x16xf32>,
      %get3A_702 = arith.index_cast %scan3A_677 : i32 to index
      %get3A_703 = arith.constant 32 : index
      %get3A_704 = tpu.vector_load %arg7[%get3A_702, %get3A_703] {strides = array<i32>} : memref<256x128xf32, #tpu.memory_space<vmem>>, vector<1x16xf32>,
      %get3A_705 = vector.shape_cast %get3A_704 : vector<1x16xf32> to vector<16xf32>
      %mul3A_706 = arith.constant 11.3137083 : f32
      %mul3A_707 = vector.broadcast %mul3A_706 : f32 to vector<16xf32>
      %mul3A_708 = arith.mulf %get3A_705, %mul3A_707 : vector<16xf32>
      %swap3A_709 = arith.index_cast %scan3A_677 : i32 to index
      %swap3A_710 = arith.constant 32 : index
      %swap3A_711 = tpu.vector_load %arg8[%swap3A_709, %swap3A_710] {strides = array<i32>} : memref<256x128xf32, #tpu.memory_space<vmem>>, vector<1x16xf32>,
      %swap3A_712 = vector.shape_cast %swap3A_711 : vector<1x16xf32> to vector<16xf32>
      %swap3A_713 = vector.shape_cast %mul3A_708 : vector<16xf32> to vector<1x16xf32>
      tpu.vector_store %arg8[%swap3A_709, %swap3A_710], %swap3A_713 {add = true, strides = array<i32>} : memref<256x128xf32, #tpu.memory_space<vmem>>, vector<1x16xf32>,
      %get3A_714 = arith.index_cast %scan3A_677 : i32 to index
      %get3A_715 = arith.constant 48 : index
      %get3A_716 = tpu.vector_load %arg7[%get3A_714, %get3A_715] {strides = array<i32>} : memref<256x128xf32, #tpu.memory_space<vmem>>, vector<1x16xf32>,
      %get3A_717 = vector.shape_cast %get3A_716 : vector<1x16xf32> to vector<16xf32>
      %mul3A_718 = arith.constant 11.3137083 : f32
      %mul3A_719 = vector.broadcast %mul3A_718 : f32 to vector<16xf32>
      %mul3A_720 = arith.mulf %get3A_717, %mul3A_719 : vector<16xf32>
      %swap3A_721 = arith.index_cast %scan3A_677 : i32 to index
      %swap3A_722 = arith.constant 48 : index
      %swap3A_723 = tpu.vector_load %arg8[%swap3A_721, %swap3A_722] {strides = array<i32>} : memref<256x128xf32, #tpu.memory_space<vmem>>, vector<1x16xf32>,
      %swap3A_724 = vector.shape_cast %swap3A_723 : vector<1x16xf32> to vector<16xf32>
      %swap3A_725 = vector.shape_cast %mul3A_720 : vector<16xf32> to vector<1x16xf32>
      tpu.vector_store %arg8[%swap3A_721, %swap3A_722], %swap3A_725 {add = true, strides = array<i32>} : memref<256x128xf32, #tpu.memory_space<vmem>>, vector<1x16xf32>,
      %get3A_726 = arith.index_cast %scan3A_677 : i32 to index
      %get3A_727 = arith.constant 64 : index
      %get3A_728 = tpu.vector_load %arg7[%get3A_726, %get3A_727] {strides = array<i32>} : memref<256x128xf32, #tpu.memory_space<vmem>>, vector<1x16xf32>,
      %get3A_729 = vector.shape_cast %get3A_728 : vector<1x16xf32> to vector<16xf32>
      %mul3A_730 = arith.constant 11.3137083 : f32
      %mul3A_731 = vector.broadcast %mul3A_730 : f32 to vector<16xf32>
      %mul3A_732 = arith.mulf %get3A_729, %mul3A_731 : vector<16xf32>
      %swap3A_733 = arith.index_cast %scan3A_677 : i32 to index
      %swap3A_734 = arith.constant 64 : index
      %swap3A_735 = tpu.vector_load %arg8[%swap3A_733, %swap3A_734] {strides = array<i32>} : memref<256x128xf32, #tpu.memory_space<vmem>>, vector<1x16xf32>,
      %swap3A_736 = vector.shape_cast %swap3A_735 : vector<1x16xf32> to vector<16xf32>
      %swap3A_737 = vector.shape_cast %mul3A_732 : vector<16xf32> to vector<1x16xf32>
      tpu.vector_store %arg8[%swap3A_733, %swap3A_734], %swap3A_737 {add = true, strides = array<i32>} : memref<256x128xf32, #tpu.memory_space<vmem>>, vector<1x16xf32>,
      %get3A_738 = arith.index_cast %scan3A_677 : i32 to index
      %get3A_739 = arith.constant 80 : index
      %get3A_740 = tpu.vector_load %arg7[%get3A_738, %get3A_739] {strides = array<i32>} : memref<256x128xf32, #tpu.memory_space<vmem>>, vector<1x16xf32>,
      %get3A_741 = vector.shape_cast %get3A_740 : vector<1x16xf32> to vector<16xf32>
      %mul3A_742 = arith.constant 11.3137083 : f32
      %mul3A_743 = vector.broadcast %mul3A_742 : f32 to vector<16xf32>
      %mul3A_744 = arith.mulf %get3A_741, %mul3A_743 : vector<16xf32>
      %swap3A_745 = arith.index_cast %scan3A_677 : i32 to index
      %swap3A_746 = arith.constant 80 : index
      %swap3A_747 = tpu.vector_load %arg8[%swap3A_745, %swap3A_746] {strides = array<i32>} : memref<256x128xf32, #tpu.memory_space<vmem>>, vector<1x16xf32>,
      %swap3A_748 = vector.shape_cast %swap3A_747 : vector<1x16xf32> to vector<16xf32>
      %swap3A_749 = vector.shape_cast %mul3A_744 : vector<16xf32> to vector<1x16xf32>
      tpu.vector_store %arg8[%swap3A_745, %swap3A_746], %swap3A_749 {add = true, strides = array<i32>} : memref<256x128xf32, #tpu.memory_space<vmem>>, vector<1x16xf32>,
      %get3A_750 = arith.index_cast %scan3A_677 : i32 to index
      %get3A_751 = arith.constant 96 : index
      %get3A_752 = tpu.vector_load %arg7[%get3A_750, %get3A_751] {strides = array<i32>} : memref<256x128xf32, #tpu.memory_space<vmem>>, vector<1x16xf32>,
      %get3A_753 = vector.shape_cast %get3A_752 : vector<1x16xf32> to vector<16xf32>
      %mul3A_754 = arith.constant 11.3137083 : f32
      %mul3A_755 = vector.broadcast %mul3A_754 : f32 to vector<16xf32>
      %mul3A_756 = arith.mulf %get3A_753, %mul3A_755 : vector<16xf32>
      %swap3A_757 = arith.index_cast %scan3A_677 : i32 to index
      %swap3A_758 = arith.constant 96 : index
      %swap3A_759 = tpu.vector_load %arg8[%swap3A_757, %swap3A_758] {strides = array<i32>} : memref<256x128xf32, #tpu.memory_space<vmem>>, vector<1x16xf32>,
      %swap3A_760 = vector.shape_cast %swap3A_759 : vector<1x16xf32> to vector<16xf32>
      %swap3A_761 = vector.shape_cast %mul3A_756 : vector<16xf32> to vector<1x16xf32>
      tpu.vector_store %arg8[%swap3A_757, %swap3A_758], %swap3A_761 {add = true, strides = array<i32>} : memref<256x128xf32, #tpu.memory_space<vmem>>, vector<1x16xf32>,
      %get3A_762 = arith.index_cast %scan3A_677 : i32 to index
      %get3A_763 = arith.constant 112 : index
      %get3A_764 = tpu.vector_load %arg7[%get3A_762, %get3A_763] {strides = array<i32>} : memref<256x128xf32, #tpu.memory_space<vmem>>, vector<1x16xf32>,
      %get3A_765 = vector.shape_cast %get3A_764 : vector<1x16xf32> to vector<16xf32>
      %mul3A_766 = arith.constant 11.3137083 : f32
      %mul3A_767 = vector.broadcast %mul3A_766 : f32 to vector<16xf32>
      %mul3A_768 = arith.mulf %get3A_765, %mul3A_767 : vector<16xf32>
      %swap3A_769 = arith.index_cast %scan3A_677 : i32 to index
      %swap3A_770 = arith.constant 112 : index
      %swap3A_771 = tpu.vector_load %arg8[%swap3A_769, %swap3A_770] {strides = array<i32>} : memref<256x128xf32, #tpu.memory_space<vmem>>, vector<1x16xf32>,
      %swap3A_772 = vector.shape_cast %swap3A_771 : vector<1x16xf32> to vector<16xf32>
      %swap3A_773 = vector.shape_cast %mul3A_768 : vector<16xf32> to vector<1x16xf32>
      tpu.vector_store %arg8[%swap3A_769, %swap3A_770], %swap3A_773 {add = true, strides = array<i32>} : memref<256x128xf32, #tpu.memory_space<vmem>>, vector<1x16xf32>,
    }
    %scan3A_473 = arith.constant 64 : i32
    %add3A_474 = arith.constant 192 : i32
    %add3A_475 = arith.addi %add3A_32, %add3A_474 : i32
    %dma_start3A_476 = arith.constant 3 : i32
    %dma_start3A_477 = arith.constant 192 : i32
    %dma_start3A_478 = arith.constant 0 : i32
    %dma_start3A_479 = tpu.memref_slice %arg8[%dma_start3A_477, %dma_start3A_478] : memref<256x128xf32, #tpu.memory_space<vmem>> -> memref<64x128xf32, #tpu.memory_space<vmem>>
    %dma_start3A_480 = arith.constant 0 : i32
    %dma_start3A_481 = arith.constant 0 : i32
    %dma_start3A_482 = tpu.memref_slice %arg5[%select_n3A, %dma_start3A_480, %dma_start3A_481] : memref<4x2048x128xf32, #tpu.memory_space<hbm>> -> memref<1x2048x128xf32, #tpu.memory_space<hbm>>
    %dma_start3A_483 = tpu.memref_squeeze %dma_start3A_482 : memref<1x2048x128xf32, #tpu.memory_space<hbm>> -> memref<2048x128xf32, #tpu.memory_space<hbm>>
    %dma_start3A_484 = arith.constant 0 : i32
    %dma_start3A_485 = tpu.memref_slice %dma_start3A_483[%add3A_475, %dma_start3A_484] : memref<2048x128xf32, #tpu.memory_space<hbm>> -> memref<64x128xf32, #tpu.memory_space<hbm>>
    %dma_start3A_486 = tpu.memref_slice %arg13[%dma_start3A_476] : memref<4x!tpu.dma_semaphore, #tpu.memory_space<semaphore_mem>> -> memref<1x!tpu.dma_semaphore, #tpu.memory_space<semaphore_mem>>
    %dma_start3A_487 = tpu.memref_squeeze %dma_start3A_486 : memref<1x!tpu.dma_semaphore, #tpu.memory_space<semaphore_mem>> -> memref<!tpu.dma_semaphore, #tpu.memory_space<semaphore_mem>>
    %dma_start3A_488 = arith.constant 0 : i32
    %dma_start3A_489 = arith.constant 0 : i32
    %dma_start3A_490 = tpu.memref_slice %arg5[%select_n3A, %dma_start3A_488, %dma_start3A_489] : memref<4x2048x128xf32, #tpu.memory_space<hbm>> -> memref<1x2048x128xf32, #tpu.memory_space<hbm>>
    %dma_start3A_491 = tpu.memref_squeeze %dma_start3A_490 : memref<1x2048x128xf32, #tpu.memory_space<hbm>> -> memref<2048x128xf32, #tpu.memory_space<hbm>>
    %dma_start3A_492 = arith.constant 0 : i32
    %dma_start3A_493 = tpu.memref_slice %dma_start3A_491[%add3A_475, %dma_start3A_492] : memref<2048x128xf32, #tpu.memory_space<hbm>> -> memref<64x128xf32, #tpu.memory_space<hbm>>
    %dma_start3A_494 = arith.constant 192 : i32
    %dma_start3A_495 = arith.constant 0 : i32
    %dma_start3A_496 = tpu.memref_slice %arg8[%dma_start3A_494, %dma_start3A_495] : memref<256x128xf32, #tpu.memory_space<vmem>> -> memref<64x128xf32, #tpu.memory_space<vmem>>
    tpu.enqueue_dma source(%dma_start3A_496 : memref<64x128xf32, #tpu.memory_space<vmem>>) target(%dma_start3A_493 : memref<64x128xf32, #tpu.memory_space<hbm>>) target_semaphore(%dma_start3A_487 : memref<!tpu.dma_semaphore, #tpu.memory_space<semaphore_mem>>)
    %dma_wait3A_497 = arith.constant 0 : i32
    %dma_wait3A_498 = arith.constant 0 : i32
    %dma_wait3A_499 = arith.constant 0 : i32
    %dma_wait3A_500 = tpu.memref_slice %arg8[%dma_wait3A_498, %dma_wait3A_499] : memref<256x128xf32, #tpu.memory_space<vmem>> -> memref<64x128xf32, #tpu.memory_space<vmem>>
    %dma_wait3A_501 = arith.constant 0 : i32
    %dma_wait3A_502 = arith.constant 0 : i32
    %dma_wait3A_503 = tpu.memref_slice %arg5[%select_n3A, %dma_wait3A_501, %dma_wait3A_502] : memref<4x2048x128xf32, #tpu.memory_space<hbm>> -> memref<1x2048x128xf32, #tpu.memory_space<hbm>>
    %dma_wait3A_504 = tpu.memref_squeeze %dma_wait3A_503 : memref<1x2048x128xf32, #tpu.memory_space<hbm>> -> memref<2048x128xf32, #tpu.memory_space<hbm>>
    %dma_wait3A_505 = arith.constant 0 : i32
    %dma_wait3A_506 = tpu.memref_slice %dma_wait3A_504[%add3A_310, %dma_wait3A_505] : memref<2048x128xf32, #tpu.memory_space<hbm>> -> memref<64x128xf32, #tpu.memory_space<hbm>>
    %dma_wait3A_507 = tpu.memref_slice %arg13[%dma_wait3A_497] : memref<4x!tpu.dma_semaphore, #tpu.memory_space<semaphore_mem>> -> memref<1x!tpu.dma_semaphore, #tpu.memory_space<semaphore_mem>>
    %dma_wait3A_508 = tpu.memref_squeeze %dma_wait3A_507 : memref<1x!tpu.dma_semaphore, #tpu.memory_space<semaphore_mem>> -> memref<!tpu.dma_semaphore, #tpu.memory_space<semaphore_mem>>
    %dma_wait3A_509 = arith.constant 0 : i32
    %dma_wait3A_510 = arith.constant 0 : i32
    %dma_wait3A_511 = tpu.memref_slice %arg5[%select_n3A, %dma_wait3A_509, %dma_wait3A_510] : memref<4x2048x128xf32, #tpu.memory_space<hbm>> -> memref<1x2048x128xf32, #tpu.memory_space<hbm>>
    %dma_wait3A_512 = tpu.memref_squeeze %dma_wait3A_511 : memref<1x2048x128xf32, #tpu.memory_space<hbm>> -> memref<2048x128xf32, #tpu.memory_space<hbm>>
    %dma_wait3A_513 = arith.constant 0 : i32
    %dma_wait3A_514 = tpu.memref_slice %dma_wait3A_512[%add3A_310, %dma_wait3A_513] : memref<2048x128xf32, #tpu.memory_space<hbm>> -> memref<64x128xf32, #tpu.memory_space<hbm>>
    %dma_wait3A_515 = arith.constant 0 : i32
    %dma_wait3A_516 = arith.constant 0 : i32
    %dma_wait3A_517 = tpu.memref_slice %arg8[%dma_wait3A_515, %dma_wait3A_516] : memref<256x128xf32, #tpu.memory_space<vmem>> -> memref<64x128xf32, #tpu.memory_space<vmem>>
    tpu.wait_dma2 semaphore(%dma_wait3A_508 : memref<!tpu.dma_semaphore, #tpu.memory_space<semaphore_mem>>) src(%dma_wait3A_517 : memref<64x128xf32, #tpu.memory_space<vmem>>) dst(%dma_wait3A_514 : memref<64x128xf32, #tpu.memory_space<hbm>>)
    %dma_wait3A_518 = arith.constant 1 : i32
    %dma_wait3A_519 = arith.constant 64 : i32
    %dma_wait3A_520 = arith.constant 0 : i32
    %dma_wait3A_521 = tpu.memref_slice %arg8[%dma_wait3A_519, %dma_wait3A_520] : memref<256x128xf32, #tpu.memory_space<vmem>> -> memref<64x128xf32, #tpu.memory_space<vmem>>
    %dma_wait3A_522 = arith.constant 0 : i32
    %dma_wait3A_523 = arith.constant 0 : i32
    %dma_wait3A_524 = tpu.memref_slice %arg5[%select_n3A, %dma_wait3A_522, %dma_wait3A_523] : memref<4x2048x128xf32, #tpu.memory_space<hbm>> -> memref<1x2048x128xf32, #tpu.memory_space<hbm>>
    %dma_wait3A_525 = tpu.memref_squeeze %dma_wait3A_524 : memref<1x2048x128xf32, #tpu.memory_space<hbm>> -> memref<2048x128xf32, #tpu.memory_space<hbm>>
    %dma_wait3A_526 = arith.constant 0 : i32
    %dma_wait3A_527 = tpu.memref_slice %dma_wait3A_525[%add3A_365, %dma_wait3A_526] : memref<2048x128xf32, #tpu.memory_space<hbm>> -> memref<64x128xf32, #tpu.memory_space<hbm>>
    %dma_wait3A_528 = tpu.memref_slice %arg13[%dma_wait3A_518] : memref<4x!tpu.dma_semaphore, #tpu.memory_space<semaphore_mem>> -> memref<1x!tpu.dma_semaphore, #tpu.memory_space<semaphore_mem>>
    %dma_wait3A_529 = tpu.memref_squeeze %dma_wait3A_528 : memref<1x!tpu.dma_semaphore, #tpu.memory_space<semaphore_mem>> -> memref<!tpu.dma_semaphore, #tpu.memory_space<semaphore_mem>>
    %dma_wait3A_530 = arith.constant 0 : i32
    %dma_wait3A_531 = arith.constant 0 : i32
    %dma_wait3A_532 = tpu.memref_slice %arg5[%select_n3A, %dma_wait3A_530, %dma_wait3A_531] : memref<4x2048x128xf32, #tpu.memory_space<hbm>> -> memref<1x2048x128xf32, #tpu.memory_space<hbm>>
    %dma_wait3A_533 = tpu.memref_squeeze %dma_wait3A_532 : memref<1x2048x128xf32, #tpu.memory_space<hbm>> -> memref<2048x128xf32, #tpu.memory_space<hbm>>
    %dma_wait3A_534 = arith.constant 0 : i32
    %dma_wait3A_535 = tpu.memref_slice %dma_wait3A_533[%add3A_365, %dma_wait3A_534] : memref<2048x128xf32, #tpu.memory_space<hbm>> -> memref<64x128xf32, #tpu.memory_space<hbm>>
    %dma_wait3A_536 = arith.constant 64 : i32
    %dma_wait3A_537 = arith.constant 0 : i32
    %dma_wait3A_538 = tpu.memref_slice %arg8[%dma_wait3A_536, %dma_wait3A_537] : memref<256x128xf32, #tpu.memory_space<vmem>> -> memref<64x128xf32, #tpu.memory_space<vmem>>
    tpu.wait_dma2 semaphore(%dma_wait3A_529 : memref<!tpu.dma_semaphore, #tpu.memory_space<semaphore_mem>>) src(%dma_wait3A_538 : memref<64x128xf32, #tpu.memory_space<vmem>>) dst(%dma_wait3A_535 : memref<64x128xf32, #tpu.memory_space<hbm>>)
    %dma_wait3A_539 = arith.constant 2 : i32
    %dma_wait3A_540 = arith.constant 128 : i32
    %dma_wait3A_541 = arith.constant 0 : i32
    %dma_wait3A_542 = tpu.memref_slice %arg8[%dma_wait3A_540, %dma_wait3A_541] : memref<256x128xf32, #tpu.memory_space<vmem>> -> memref<64x128xf32, #tpu.memory_space<vmem>>
    %dma_wait3A_543 = arith.constant 0 : i32
    %dma_wait3A_544 = arith.constant 0 : i32
    %dma_wait3A_545 = tpu.memref_slice %arg5[%select_n3A, %dma_wait3A_543, %dma_wait3A_544] : memref<4x2048x128xf32, #tpu.memory_space<hbm>> -> memref<1x2048x128xf32, #tpu.memory_space<hbm>>
    %dma_wait3A_546 = tpu.memref_squeeze %dma_wait3A_545 : memref<1x2048x128xf32, #tpu.memory_space<hbm>> -> memref<2048x128xf32, #tpu.memory_space<hbm>>
    %dma_wait3A_547 = arith.constant 0 : i32
    %dma_wait3A_548 = tpu.memref_slice %dma_wait3A_546[%add3A_420, %dma_wait3A_547] : memref<2048x128xf32, #tpu.memory_space<hbm>> -> memref<64x128xf32, #tpu.memory_space<hbm>>
    %dma_wait3A_549 = tpu.memref_slice %arg13[%dma_wait3A_539] : memref<4x!tpu.dma_semaphore, #tpu.memory_space<semaphore_mem>> -> memref<1x!tpu.dma_semaphore, #tpu.memory_space<semaphore_mem>>
    %dma_wait3A_550 = tpu.memref_squeeze %dma_wait3A_549 : memref<1x!tpu.dma_semaphore, #tpu.memory_space<semaphore_mem>> -> memref<!tpu.dma_semaphore, #tpu.memory_space<semaphore_mem>>
    %dma_wait3A_551 = arith.constant 0 : i32
    %dma_wait3A_552 = arith.constant 0 : i32
    %dma_wait3A_553 = tpu.memref_slice %arg5[%select_n3A, %dma_wait3A_551, %dma_wait3A_552] : memref<4x2048x128xf32, #tpu.memory_space<hbm>> -> memref<1x2048x128xf32, #tpu.memory_space<hbm>>
    %dma_wait3A_554 = tpu.memref_squeeze %dma_wait3A_553 : memref<1x2048x128xf32, #tpu.memory_space<hbm>> -> memref<2048x128xf32, #tpu.memory_space<hbm>>
    %dma_wait3A_555 = arith.constant 0 : i32
    %dma_wait3A_556 = tpu.memref_slice %dma_wait3A_554[%add3A_420, %dma_wait3A_555] : memref<2048x128xf32, #tpu.memory_space<hbm>> -> memref<64x128xf32, #tpu.memory_space<hbm>>
    %dma_wait3A_557 = arith.constant 128 : i32
    %dma_wait3A_558 = arith.constant 0 : i32
    %dma_wait3A_559 = tpu.memref_slice %arg8[%dma_wait3A_557, %dma_wait3A_558] : memref<256x128xf32, #tpu.memory_space<vmem>> -> memref<64x128xf32, #tpu.memory_space<vmem>>
    tpu.wait_dma2 semaphore(%dma_wait3A_550 : memref<!tpu.dma_semaphore, #tpu.memory_space<semaphore_mem>>) src(%dma_wait3A_559 : memref<64x128xf32, #tpu.memory_space<vmem>>) dst(%dma_wait3A_556 : memref<64x128xf32, #tpu.memory_space<hbm>>)
    %dma_wait3A_560 = arith.constant 3 : i32
    %dma_wait3A_561 = arith.constant 192 : i32
    %dma_wait3A_562 = arith.constant 0 : i32
    %dma_wait3A_563 = tpu.memref_slice %arg8[%dma_wait3A_561, %dma_wait3A_562] : memref<256x128xf32, #tpu.memory_space<vmem>> -> memref<64x128xf32, #tpu.memory_space<vmem>>
    %dma_wait3A_564 = arith.constant 0 : i32
    %dma_wait3A_565 = arith.constant 0 : i32
    %dma_wait3A_566 = tpu.memref_slice %arg5[%select_n3A, %dma_wait3A_564, %dma_wait3A_565] : memref<4x2048x128xf32, #tpu.memory_space<hbm>> -> memref<1x2048x128xf32, #tpu.memory_space<hbm>>
    %dma_wait3A_567 = tpu.memref_squeeze %dma_wait3A_566 : memref<1x2048x128xf32, #tpu.memory_space<hbm>> -> memref<2048x128xf32, #tpu.memory_space<hbm>>
    %dma_wait3A_568 = arith.constant 0 : i32
    %dma_wait3A_569 = tpu.memref_slice %dma_wait3A_567[%add3A_475, %dma_wait3A_568] : memref<2048x128xf32, #tpu.memory_space<hbm>> -> memref<64x128xf32, #tpu.memory_space<hbm>>
    %dma_wait3A_570 = tpu.memref_slice %arg13[%dma_wait3A_560] : memref<4x!tpu.dma_semaphore, #tpu.memory_space<semaphore_mem>> -> memref<1x!tpu.dma_semaphore, #tpu.memory_space<semaphore_mem>>
    %dma_wait3A_571 = tpu.memref_squeeze %dma_wait3A_570 : memref<1x!tpu.dma_semaphore, #tpu.memory_space<semaphore_mem>> -> memref<!tpu.dma_semaphore, #tpu.memory_space<semaphore_mem>>
    %dma_wait3A_572 = arith.constant 0 : i32
    %dma_wait3A_573 = arith.constant 0 : i32
    %dma_wait3A_574 = tpu.memref_slice %arg5[%select_n3A, %dma_wait3A_572, %dma_wait3A_573] : memref<4x2048x128xf32, #tpu.memory_space<hbm>> -> memref<1x2048x128xf32, #tpu.memory_space<hbm>>
    %dma_wait3A_575 = tpu.memref_squeeze %dma_wait3A_574 : memref<1x2048x128xf32, #tpu.memory_space<hbm>> -> memref<2048x128xf32, #tpu.memory_space<hbm>>
    %dma_wait3A_576 = arith.constant 0 : i32
    %dma_wait3A_577 = tpu.memref_slice %dma_wait3A_575[%add3A_475, %dma_wait3A_576] : memref<2048x128xf32, #tpu.memory_space<hbm>> -> memref<64x128xf32, #tpu.memory_space<hbm>>
    %dma_wait3A_578 = arith.constant 192 : i32
    %dma_wait3A_579 = arith.constant 0 : i32
    %dma_wait3A_580 = tpu.memref_slice %arg8[%dma_wait3A_578, %dma_wait3A_579] : memref<256x128xf32, #tpu.memory_space<vmem>> -> memref<64x128xf32, #tpu.memory_space<vmem>>
    tpu.wait_dma2 semaphore(%dma_wait3A_571 : memref<!tpu.dma_semaphore, #tpu.memory_space<semaphore_mem>>) src(%dma_wait3A_580 : memref<64x128xf32, #tpu.memory_space<vmem>>) dst(%dma_wait3A_577 : memref<64x128xf32, #tpu.memory_space<hbm>>)
    return
  }
}

</mosaic_0001>

<sc_bundles>
// kernel: kernel.3.cloned.1.call-start
scs
__scs_entry_jumppad:
0x0: {  	(pc) =	sbr.rel $0x88, $3  }
0x1: {  	(tag) =	ssettag $0x0;
	lr =	simm.s32 $0x1  }
0x2: {  	[smem:$0x3F9E] =	sst lr;
	_ =	strace $0xD0000000  }
0x3: {  	_ = 	snop  }
0x4: {  	_ = 	snop  }
0x5: {  	_ = 	snop  }
0x6: {  	_ = 	snop  }
0x7: {  	_ = 	snop  }
__scs_overlays_trampoline_lowered:
0x8: {  	[smem:$0x3FAD] =	sst s0  }
0x9: {  	[smem:$0x3FAE] =	sst s1  }
0xa: {  	[smem:$0x3FAF] =	sst s2  }
0xb: {  	[smem:$0x3FB0] =	sst s3  }
0xc: {  	[smem:$0x3FB1] =	sst s4  }
0xd: {  	[smem:$0x3FB2] =	sst s5  }
0xe: {  	[smem:$0x3FB3] =	sst s6  }
0xf: {  	[smem:$0x3FB4] =	sst s7  }
0x10: {  	[smem:$0x3FB5] =	sst s8  }
0x11: {  	[smem:$0x3FB6] =	sst s9;
	s0 =	simm.s32 @!p0 $0x0  }
0x12: {  	s1 =	sld [smem:$0x3F9C];
	s0 =	simm.s32 @p0 $0x1  }
0x13: {  	[smem:$0x3FB7] =	sst s0;
	s0 =	simm.s32 @!p1 $0x0  }
0x14: {  	s2 =	sld [smem:$0x3F9B];
	s0 =	simm.s32 @p1 $0x1  }
0x15: {  	[smem:$0x3FB8] =	sst s0;
	s0 =	simm.s32 @!p2 $0x0  }
0x16: {  	s3 =	sld [smem:$0x3FDB];
	s0 =	simm.s32 @p2 $0x1  }
0x17: {  	s4 =	simm.s32 $0x1BF5;
	[smem:$0x3FBA] =	sst s0  }
0x18: {  	s0 =	sld [smem:$0x3F9D];
	_ =	swait.ge [sflag:s4], $0x0  }
0x19: {  	s7 =	sld [smem:$0x3F9E]  }
0x1a: {  	s8 =	sadd.s32 $0xFFFFE003, lr  }
0x1b: {  	s9 =	sadd.s32 $0xFFFFFEF7, lr;
	s5 =	simm.s32 $0xFFFFFFFF;
	p2 =	slt.u32 s8, $0xFFFFF086  }
0x1c: {  	p1 =	slt.u32 s9, $0xF7A;
	s5 =	simm.s32 @!p2 $0x0  }
0x1d: {  	s5 =	simm.s32 @p1 $0x1;
	p0 =	seq.s32 s7, s2  }
0x1e: {  	s7 =	smul.u32 @!p0 $0xF7A, s2;
	p2 =	seq.s32 @!p0 s5, $0x0  }
0x1f: {  	s9 =	smul.u32 $0xF7A, s1;
	s8 =	simm.s32 @!p0 $0x1BF5;
	p2 =	por !p2, p0  }
0x20: {  	[sflag:s8] =	ssyncset.s32 @!p0 $0xFFFFF086;
	s6 =	sadd.s32 @!p0 s3, s7;
	s7 =	simm.s32 @!p0 $0x108  }
0x21: {  	s3 =	sadd.s32 s3, s9;
	s6 =	sadd.s32 @!p0 $0x88, s6;
	s7 =	simm.s32 @p2 $0x1082  }
0x22: {  	[simem:s7], [sflag:s8] =	dma.local @!p0 [hbm:s6], $0xF7A  }
0x23: {  	s9 =	sor.u32 $0xD0000000, s2;
	s6 =	simm.s32 $0x108;
	_ =	swait.ge @!p0 [sflag:s8], $0x0  }
0x24: {  	s3 =	sadd.s32 $0x88, s3;
	s6 =	simm.s32 @!p1 $0x1082;
	[sflag:s4] =	ssyncset.s32 $0xFFFFF086  }
0x25: {  	[simem:s6], [sflag:s4] =	dma.local [hbm:s3], $0xF7A  }
0x26: {  	[smem:$0x3F9E] =	sst s1;
	(tag) =	ssettag s2;
	_ =	strace s9  }
0x27: {  	s1 =	sld [smem:$0x3FAE]  }
0x28: {  	s2 =	sld [smem:$0x3FAF]  }
0x29: {  	s4 =	sld [smem:$0x3FB1]  }
0x2a: {  	p0 =	seq.s32 s5, $0x0;
	s5 =	sld [smem:$0x3FB2]  }
0x2b: {  	s6 =	sld [smem:$0x3FB3]  }
0x2c: {  	s7 =	sld [smem:$0x3FB4]  }
0x2d: {  	s3 =	simm.s32 $0x108;
	s8 =	sld [smem:$0x3FB5]  }
0x2e: {  	s3 =	simm.s32 @!p0 $0x1082;
	s9 =	sld [smem:$0x3FB6]  }
0x2f: {  	lr =	sadd.s32 s0, s3;
	s0 =	sld [smem:$0x3FAD]  }
0x30: {  	s3 =	sld [smem:$0x3FB0]  }
0x31: {  	[smem:$0x3FB9] =	sst s10  }
0x32: {  	s10 =	sld [smem:$0x3FB7];
	_ =	sdelay $0x3  }
0x33: {  	p0 =	seq.s32 s10, $0x1;
	s10 =	sld [smem:$0x3FB9];
	_ =	sdelay $0x3  }
0x34: {  	[smem:$0x3FB9] =	sst s10  }
0x35: {  	s10 =	sld [smem:$0x3FB8];
	_ =	sdelay $0x3  }
0x36: {  	p1 =	seq.s32 s10, $0x1;
	s10 =	sld [smem:$0x3FB9];
	_ =	sdelay $0x3  }
0x37: {  	[smem:$0x3FB9] =	sst s10  }
0x38: {  	s10 =	sld [smem:$0x3FBA]  }
0x39: {  	_ = 	snop;
	(pc) =	sbr.ind lr, $3  }
0x3a: {  	_ = 	snop  }
0x3b: {  	_ = 	snop  }
0x3c: {  	p2 =	seq.s32 s10, $0x1;
	s10 =	sld [smem:$0x3FB9]  }
0x3d: {  	_ =	shalt  }
0x3e: {  	_ =	shalt  }
0x3f: {  	_ =	shalt  }
0x40: {  	_ =	shalt  }
0x41: {  	_ =	shalt  }
0x42: {  	_ =	shalt  }
0x43: {  	_ =	shalt  }
0x44: {  	_ =	shalt  }
0x45: {  	_ =	shalt  }
0x46: {  	_ =	shalt  }
0x47: {  	_ =	shalt  }
0x48: {  	_ =	shalt  }
0x49: {  	_ =	shalt  }
0x4a: {  	_ =	shalt  }
0x4b: {  	_ =	shalt  }
0x4c: {  	_ =	shalt  }
0x4d: {  	_ =	shalt  }
0x4e: {  	_ =	shalt  }
0x4f: {  	_ =	shalt  }
0x50: {  	_ =	shalt  }
0x51: {  	_ =	shalt  }
0x52: {  	_ =	shalt  }
0x53: {  	_ =	shalt  }
0x54: {  	_ =	shalt  }
0x55: {  	_ =	shalt  }
0x56: {  	_ =	shalt  }
0x57: {  	_ =	shalt  }
0x58: {  	_ =	shalt  }
0x59: {  	_ =	shalt  }
0x5a: {  	_ =	shalt  }
0x5b: {  	_ =	shalt  }
0x5c: {  	_ =	shalt  }
0x5d: {  	_ =	shalt  }
0x5e: {  	_ =	shalt  }
0x5f: {  	_ =	shalt  }
0x60: {  	_ =	shalt  }
0x61: {  	_ =	shalt  }
0x62: {  	_ =	shalt  }
0x63: {  	_ =	shalt  }
0x64: {  	_ =	shalt  }
0x65: {  	_ =	shalt  }
0x66: {  	_ =	shalt  }
0x67: {  	_ =	shalt  }
0x68: {  	_ =	shalt  }
0x69: {  	_ =	shalt  }
0x6a: {  	_ =	shalt  }
0x6b: {  	_ =	shalt  }
0x6c: {  	_ =	shalt  }
0x6d: {  	_ =	shalt  }
0x6e: {  	_ =	shalt  }
0x6f: {  	_ =	shalt  }
0x70: {  	_ =	shalt  }
0x71: {  	_ =	shalt  }
0x72: {  	_ =	shalt  }
0x73: {  	_ =	shalt  }
0x74: {  	_ =	shalt  }
0x75: {  	_ =	shalt  }
0x76: {  	_ =	shalt  }
0x77: {  	_ =	shalt  }
0x78: {  	_ =	shalt  }
0x79: {  	_ =	shalt  }
0x7a: {  	_ =	shalt  }
0x7b: {  	_ =	shalt  }
0x7c: {  	_ =	shalt  }
0x7d: {  	_ =	shalt  }
0x7e: {  	_ =	shalt  }
0x7f: {  	_ =	shalt  }
0x80: {  	_ =	shalt  }
0x81: {  	_ =	shalt  }
0x82: {  	_ =	shalt  }
0x83: {  	_ =	shalt  }
0x84: {  	_ =	shalt  }
0x85: {  	_ =	shalt  }
0x86: {  	_ =	shalt  }
0x87: {  	_ =	shalt  }
.Lfunc_end0:
.L_simem_size_0:
called_computation_lowered:
.L_overlay_start_0:
0x88: {  	s2 =	sld [smem:$0x3FD9]  }
0x89: {  	s3 =	sld [smem:$0x3FFE];
	_ =	sdelay $0x1  }
0x8a: {  	s1 =	srdreg.scid  }
0x8b: {  	s0 =	sand.u32 $0x1, s1  }
0x8c: {  	s18 =	sshll.u32 s0, $0xA;
	s2 =	sadd.s32 s3, s2  }
0x8d: {  	s2 =	sadd.s32 s2, s18  }
0x8e: {  	[smem:$0x3FC5] =	sst s2  }
0x8f: {  	_ = 	snop  }
0x90: {  	s2 =	sld [smem:$0x3FC9]  }
0x91: {  	s19 =	sld [smem:$0x3FC8]  }
0x92: {  	s4 =	sld [smem:$0x3FC7]  }
0x93: {  	s5 =	sld [smem:$0x3FD0];
	(tm) =	ssettm $0x1  }
0x94: {  	s6 =	sld [smem:$0x3FFB];
	_ =	sdelay $0x3  }
0x95: {  	_ =	strace s6  }
0x96: {  	s6 =	sld [smem:$0x3FFC];
	_ =	sdelay $0x3  }
0x97: {  	_ =	strace s6  }
0x98: {  	s6 =	sld [smem:$0x3FFD];
	_ =	sdelay $0x3  }
0x99: {  	_ =	strace s6  }
0x9a: {  	_ =	strace $0x8FFFFFFF  }
0x9b: {  	s20 =	sld [smem:$0x3FDB];
	_ =	sdelay $0x1  }
0x9c: {  	s7 =	simm.s32 $_scs_section_size  }
0x9d: {  	s8 =	simm.s32 $_size__tile_overlayer_lowered;
	s9 =	simm.s32 $_tile_overlayer_lowered  }
0x9e: {  	s23 =	simm.s32 $0x1BFF;
	s22 =	sshll.u32 s9, $0x1;
	s6 =	sadd.s32 s7, s20  }
0x9f: {  	s10 =	simm.s32 $0x0;
	s21 =	sshll.u32 s8, $0x1;
	s8 =	sadd.s32 s22, s6  }
0xa0: {  	[timem:s10], [sflag:s23] =	dma.local [hbm:s8], s21  }
0xa1: {  	_ =	swait.ge [sflag:s23], s21  }
0xa2: {  	s7 =	ssub.s32 $0x0, s21;
	[sflag:s23] =	ssyncset.done $0x0  }
0xa3: {  	[sflag:s23] =	ssyncadd.s32 s7;
	_ =	sdelay $0x1  }
0xa4: {  	s24 =	simm.s32 $0x1B8B  }
0xa5: {  	_ =	swait.ge [sflag:s24], $0x1  }
0xa6: {  	[sflag:s24] =	ssyncset.done $0x0  }
0xa7: {  	s25 =	simm.s32 $0x1B8E;
	[sflag:s24] =	ssyncadd.s32 $0xFFFFFFFF  }
0xa8: {  	s26 =	simm.s32 $execute0_lowered;
	[smem:$0x3FD2] =	sst s25  }
0xa9: {  	s7 =	sshll.u32 s26, $0x1;
	_ =	strace $0x80000046;
	[dreg:$0x1] =	wrdreg $0xFFFFFFFF  }
0xaa: {  	s28 =	simm.s32 $_size_execute0_lowered;
	s6 =	sadd.s32 s6, s7;
	[dreg:$0x0] =	wrdreg $0x0  }
0xab: {  	s7 =	sshll.u32 s28, $0x1;
	[dreg:$0x2] =	wrdreg s6  }
0xac: {  	[dreg:$0x3] =	wrdreg s7  }
0xad: {  	[dreg:$0x4] =	wrdreg $0xC0  }
0xae: {  	_ =	task [dreg:s10], $0x5FFFF  }
0xaf: {  	[dreg:$0x1] =	wrdreg $0xFFFFFFFF  }
0xb0: {  	[dreg:$0x0] =	wrdreg $0x60  }
0xb1: {  	[dreg:$0x2] =	wrdreg s2  }
0xb2: {  	[dreg:$0x3] =	wrdreg s19  }
0xb3: {  	[dreg:$0x4] =	wrdreg s4  }
0xb4: {  	[dreg:$0x5] =	wrdreg s5  }
0xb5: {  	[dreg:$0x6] =	wrdreg $0x102000  }
0xb6: {  	[dreg:$0x7] =	wrdreg $0x9  }
0xb7: {  	_ =	task.clear_ibuf [dreg:s10], $0x8FFFF;
	_ =	strace $0x90000046  }
0xb8: {  	s29 =	simm.s32 $0x9;
	_ =	strace $0x80000048  }
0xb9: {  	_ =	swait.ge [sflag:s29], $0x1  }
0xba: {  	[sflag:s29] =	ssyncadd.s32 $0xFFFFFFFF  }
0xbb: {  	_ =	strace $0x90000048  }
0xbc: {  	_ =	sfence  }
0xbd: {  	s30 =	sld [smem:$0x0];
	_ =	sdelay $0x2  }
0xbe: {  	s31 =	sshll.u32 s1, $0xD;
	s1 =	sshrl.u32 s1, $0x2  }
0xbf: {  	s3 =	sand.u32 $0x4000, s31;
	s1 =	sadd.s32 s1, s30  }
0xc0: {  	s0 =	sor.u32 s3, s0;
	s1 =	sshll.u32 s1, $0x11  }
0xc1: {  	s0 =	sor.u32 s1, s0  }
0xc2: {  	s0 =	sadd.s32 $0x8F2B, s0  }
0xc3: {  	[sflag:s0] =	ssyncadd.remote.s32 $0x1  }
0xc4: {  	_ =	sfence.sel $0xFFFF  }
0xc5: {  	[dreg:$0x0] =	wrdreg $0xFFFFFFFF;
	(pc) =	sbr.abs _section_cstart, $3  }
0xc6: {  	[dreg:$0x1] =	wrdreg $0xFFFFFFFF  }
0xc7: {  	_ =	task.clear_ibuf [dreg:s10], $0x2FFFF;
	_ =	strace $0x9FFFFFFF  }
0xc8: {  	(tm) =	ssettm $0x7FFFFFFF  }
0xc9: {  	_ =	shalt  }
tec
execute0_lowered:
.L_overlay_start_1:
0x0: {  	(tag) =	ssettag $0x1  }
0x1: {  	s0 =	rddreg [dreg:$0x0]  }
0x2: {  	s1 =	rddreg [dreg:$0x1]  }
0x3: {  	s2 =	rddreg [dreg:$0x2]  }
0x4: {  	s4 =	rddreg [dreg:$0x3]  }
0x5: {  	s5 =	rddreg [dreg:$0x4]  }
0x6: {  	s3 =	simm.s32 $0x0;
	s6 =	srdreg.scid;
	s15 =	stileid.u32  }
0x7: {  	s28 =	simm.s32 $0x2;
	s30 =	simm.s32 $0x3;
	[smem:$0x7FF] =	sst s3  }
0x8: {  	s6 =	sand.u32 $0x1, s6;
	s8 =	sand.u32 $0x3, s15;
	s12 =	sshrl.u32 s15, $0x2  }
0x9: {  	s19 =	sshll.u32 s15, $0xA;
	s20 =	sshll.u32 s15, $0xD;
	s21 =	sshll.u32 s15, $0x6  }
0xa: {  	s26 =	sadd.s32 $0x8, s0;
	_ =	strace $0x80000047;
	s7 =	ssub.s32 $0x2, s6  }
0xb: {  	s10 =	sshll.u32 s8, $0x8;
	s11 =	sshll.u32 s6, $0xA;
	s6 =	sshll.u32 s6, $0xE  }
0xc: {  	s13 =	sshll.u32 s12, $0x7;
	s22 =	sor.u32 $0x1C11, s21;
	s8 =	sshll.u32 s8, $0xF  }
0xd: {  	s9 =	sshrl.u32 s7, $0x1;
	s10 =	sor.u32 s11, s10;
	s11 =	sadd.s32 s20, s5  }
0xe: {  	s2 =	sadd.s32 s2, s6;
	[dreg:$0x7] =	wrdreg s22;
	s22 =	sshll.u32 s12, $0xF  }
0xf: {  	s6 =	simm.s32 $0x9;
	s12 =	simm.s32 $0xC;
	s7 =	ssub.s32 s7, s9  }
0x10: {  	s14 =	sshll.u32 s10, $0x2;
	s2 =	sadd.s32 s19, s2;
	s25 =	sor.u32 $0x80, s10  }
0x11: {  	s16 =	sor.u32 $0xC0, s10;
	s15 =	sadd.s32 s4, s22;
	s22 =	simm.s32 $0x40  }
0x12: {  	s4 =	simm.s32 $0xE200;
	s14 =	sor.u32 s13, s14;
	[dreg:$0x6] =	wrdreg s2  }
0x13: {  	s29 =	sshll.u32 s25, $0x2;
	s31 =	sshll.u32 s16, $0x2;
	s23 =	sshrl.u32 s14, $0x3  }
0x14: {  	s9 =	sor.u32 s13, s29;
	s17 =	sand.u32 $0x1E00, s31;
	s29 =	sshrl.u32 s11, $0x3  }
0x15: {  	s14 =	sshll.u32 s10, $0x4;
	s24 =	sadd.s32 s0, s23;
	[dreg:$0x10] =	wrdreg s29  }
0x16: {  	s10 =	simm.s32 $0x7;
	s2 =	sadd.s32 s23, s26;
	[dreg:$0x8] =	wrdreg s24  }
0x17: {  	s11 =	simm.s32 $0xB;
	s23 =	sor.u32 $0x400, s14;
	[dreg:$0x9] =	wrdreg s2  }
0x18: {  	s2 =	sshrl.u32 s9, $0x3;
	s9 =	sor.u32 s13, s17;
	s24 =	sshll.u32 s25, $0x4  }
0x19: {  	s25 =	sshll.u32 s16, $0x4;
	s13 =	simm.s32 $0xE;
	s16 =	simm.s32 $0x10  }
0x1a: {  	s17 =	simm.s32 $0x0;
	s0 =	sadd.s32 s0, s2;
	s18 =	sshrl.u32 s9, $0x3  }
0x1b: {  	s9 =	sadd.s32 s8, s5;
	s31 =	sadd.s32 s24, s15;
	[dreg:$0xa] =	wrdreg s0  }
0x1c: {  	s25 =	sadd.s32 s25, s15;
	s0 =	sadd.s32 s18, s26;
	[dreg:$0x12] =	wrdreg s31  }
0x1d: {  	s2 =	simm.s32 $0xC200;
	s19 =	sadd.s32 $0x2000, s9;
	[dreg:$0xb] =	wrdreg s0  }
0x1e: {  	s5 =	simm.s32 $0x5;
	s20 =	sadd.s32 $0x4000, s9;
	[dreg:$0xc] =	wrdreg s19  }
0x1f: {  	s8 =	simm.s32 $0xA;
	s21 =	sadd.s32 $0x6000, s9;
	[dreg:$0xd] =	wrdreg s20  }
0x20: {  	s26 =	smax.u32 s7, $0x1;
	s7 =	simm.s32 $0x6;
	[dreg:$0xe] =	wrdreg s21  }
0x21: {  	s18 =	simm.s32 $0x8;
	[dreg:$0xf] =	wrdreg s26;
	s21 =	simm.s32 $0x1  }
0x22: {  	s0 =	sadd.s32 s15, s23;
	s26 =	simm.s32 $0x11;
	s19 =	simm.s32 $0xD  }
0x23: {  	s20 =	simm.s32 $0xF;
	[dreg:$0x11] =	wrdreg s0;
	s0 =	simm.s32 $0x4  }
.LBB2_1:
0x24: {  	s23 =	rddreg [dreg:$0x6]  }
0x25: {  	s24 =	rddreg [dreg:$0x7]  }
0x26: {  	s29 =	rddreg [dreg:$0x10]  }
0x27: {  	[spmem:s29], [sflag:s24] =	dma.local [hbm:s23], $0x400  }
0x28: {  	s23 =	rddreg [dreg:$0x8]  }
0x29: {  	[tilespmem:s3], [sflag:$0x1] =	stream.linear.gather [hbm4b:s23+s3], $0x40, $0x38;
	[tilespmem:$0x12200] =	vst v63  }
0x2a: {  	s24 =	simm.s32 $0x80;
	s23 =	rddreg [dreg:$0x9]  }
0x2b: {  	[tilespmem:s24], [sflag:$0x2] =	stream.linear.gather [hbm4b:s23+s3], $0x40, $0x38;
	[tilespmem:$0x12200] =	vst v63  }
0x2c: {  	s29 =	simm.s32 $0x100;
	s23 =	rddreg [dreg:$0xa]  }
0x2d: {  	[tilespmem:s29], [sflag:$0x3] =	stream.linear.gather [hbm4b:s23+s3], $0x40, $0x38;
	[tilespmem:$0x12200] =	vst v63  }
0x2e: {  	s31 =	simm.s32 $0x180;
	s23 =	rddreg [dreg:$0xb]  }
0x2f: {  	[tilespmem:s31], [sflag:$0x4] =	stream.linear.gather [hbm4b:s23+s3], $0x40, $0x38;
	[tilespmem:$0x12200] =	vst v63  }
0x30: {  	_ =	swait.ge [sflag:s21], $0x40  }
0x31: {  	[sflag:s21] =	ssyncset.done $0x0  }
0x32: {  	s23 =	simm.s32 $0x200;
	[sflag:s21] =	ssyncadd.s32 $0xFFFFFFC0  }
0x33: {  	[tilespmem:s23], [sflag:$0x5] =	stream.indirect.gather [hbm4b:s1+s22], $0x80, s3, s22, $0xb8;
	[tilespmem:$0x12200] =	vst v63  }
0x34: {  	_ =	swait.ge [sflag:s28], $0x40  }
0x35: {  	[sflag:s28] =	ssyncset.done $0x0  }
0x36: {  	s23 =	simm.s32 $0x2200;
	[sflag:s28] =	ssyncadd.s32 $0xFFFFFFC0  }
0x37: {  	[tilespmem:s23], [sflag:$0x6] =	stream.indirect.gather [hbm4b:s1+s22], $0x80, s24, s22, $0xb8;
	[tilespmem:$0x12200] =	vst v63  }
0x38: {  	_ =	swait.ge [sflag:s30], $0x40  }
0x39: {  	[sflag:s30] =	ssyncset.done $0x0  }
0x3a: {  	s24 =	simm.s32 $0x4200;
	[sflag:s30] =	ssyncadd.s32 $0xFFFFFFC0  }
0x3b: {  	[tilespmem:s24], [sflag:$0x7] =	stream.indirect.gather [hbm4b:s1+s22], $0x80, s29, s22, $0xb8;
	[tilespmem:$0x12200] =	vst v63  }
0x3c: {  	_ =	swait.ge [sflag:s0], $0x40  }
0x3d: {  	[sflag:s0] =	ssyncset.done $0x0  }
0x3e: {  	s24 =	simm.s32 $0x6200;
	[sflag:s0] =	ssyncadd.s32 $0xFFFFFFC0  }
0x3f: {  	[tilespmem:s24], [sflag:$0x8] =	stream.indirect.gather [hbm4b:s1+s22], $0x80, s31, s22, $0xb8;
	[tilespmem:$0x12200] =	vst v63  }
0x40: {  	_ =	swait.ge [sflag:s26], $0x400  }
0x41: {  	[sflag:s26] =	ssyncset.done $0x0  }
0x42: {  	[sflag:s26] =	ssyncadd.s32 $0xFFFFFC00  }
0x43: {  	s31 =	simm.s32 $0x8200;
	[bflag:$0x0] =	sbarrier.arrive $0xFFFF  }
0x44: {  	[tilespmem:s31], [sflag:$0x9] =	stream.linear.gather [spmem:s9], $0x2000, $0x38;
	[tilespmem:$0x12200] =	vst v63  }
0x45: {  	s24 =	simm.s32 $0xA200;
	s23 =	rddreg [dreg:$0xc]  }
0x46: {  	[tilespmem:s24], [sflag:$0xA] =	stream.linear.gather [spmem:s23], $0x2000, $0x38;
	[tilespmem:$0x12200] =	vst v63  }
0x47: {  	s24 =	rddreg [dreg:$0xd]  }
0x48: {  	[tilespmem:s2], [sflag:$0xB] =	stream.linear.gather [spmem:s24], $0x2000, $0x38;
	[tilespmem:$0x12200] =	vst v63  }
0x49: {  	s24 =	rddreg [dreg:$0xe]  }
0x4a: {  	[tilespmem:s4], [sflag:$0xC] =	stream.linear.gather [spmem:s24], $0x2000, $0x38;
	[tilespmem:$0x12200] =	vst v63  }
0x4b: {  	_ =	swait.ge [sflag:s5], $0x2000  }
0x4c: {  	[sflag:s5] =	ssyncset.done $0x0  }
0x4d: {  	[sflag:s5] =	ssyncadd.s32 $0xFFFFE000  }
0x4e: {  	_ =	swait.ge [sflag:s6], $0x2000  }
0x4f: {  	[sflag:s6] =	ssyncset.done $0x0  }
0x50: {  	s23 =	simm.s32 $0x0;
	[sflag:s6] =	ssyncadd.s32 $0xFFFFE000  }
0x51: {  	v0 =	vld [tilespmem:s23+$0x2F0]  }
0x52: {  	v1 =	vld [tilespmem:s23+$0x200]  }
0x53: {  	v2 =	vld [tilespmem:s23+$0x210]  }
0x54: {  	v3 =	vld [tilespmem:s23+$0x220]  }
0x55: {  	v4 =	vld [tilespmem:s23+$0x230]  }
0x56: {  	v5 =	vld [tilespmem:s23+$0x240]  }
0x57: {  	v6 =	vld [tilespmem:s23+$0x250]  }
0x58: {  	v7 =	vld [tilespmem:s23+$0x270]  }
0x59: {  	v8 =	vld [tilespmem:s23+$0x280]  }
0x5a: {  	v9 =	vld [tilespmem:s23+$0x290]  }
0x5b: {  	v10 =	vld [tilespmem:s23+$0x2A0]  }
0x5c: {  	v11 =	vld [tilespmem:s23+$0x2B0]  }
0x5d: {  	v12 =	vld [tilespmem:s23+$0x2C0]  }
0x5e: {  	v13 =	vld [tilespmem:s23+$0x2D0];
	v0 =	vmul.f32 $1.131370830e+01, v0  }
0x5f: {  	v14 =	vld [tilespmem:s23+$0x2E0]  }
0x60: {  	v1 =	vmul.f32 $1.131370830e+01, v1;
	[tilespmem:s23+$0x82F0] =	vst.add.f32.msk $0xffff, v0  }
0x61: {  	v2 =	vmul.f32 $1.131370830e+01, v2;
	v0 =	vld [tilespmem:s23+$0x260]  }
0x62: {  	v3 =	vmul.f32 $1.131370830e+01, v3;
	[tilespmem:s23+$0x8200] =	vst.add.f32.msk $0xffff, v1  }
0x63: {  	v1 =	vmul.f32 $1.131370830e+01, v4;
	[tilespmem:s23+$0x8210] =	vst.add.f32.msk $0xffff, v2  }
0x64: {  	v2 =	vmul.f32 $1.131370830e+01, v5;
	[tilespmem:s23+$0x8220] =	vst.add.f32.msk $0xffff, v3  }
0x65: {  	v3 =	vmul.f32 $1.131370830e+01, v6;
	[tilespmem:s23+$0x8230] =	vst.add.f32.msk $0xffff, v1  }
0x66: {  	[tilespmem:s23+$0x8240] =	vst.add.f32.msk $0xffff, v2;
	v1 =	vmul.f32 $1.131370830e+01, v7  }
0x67: {  	[tilespmem:s23+$0x8250] =	vst.add.f32.msk $0xffff, v3;
	v2 =	vmul.f32 $1.131370830e+01, v8  }
0x68: {  	[tilespmem:s23+$0x8270] =	vst.add.f32.msk $0xffff, v1;
	v0 =	vmul.f32 $1.131370830e+01, v0  }
0x69: {  	v1 =	vmul.f32 $1.131370830e+01, v10;
	[tilespmem:s23+$0x8280] =	vst.add.f32.msk $0xffff, v2  }
0x6a: {  	[tilespmem:s23+$0x8260] =	vst.add.f32.msk $0xffff, v0;
	v0 =	vmul.f32 $1.131370830e+01, v9  }
0x6b: {  	v2 =	vmul.f32 $1.131370830e+01, v11;
	[tilespmem:s23+$0x82A0] =	vst.add.f32.msk $0xffff, v1  }
0x6c: {  	[tilespmem:s23+$0x8290] =	vst.add.f32.msk $0xffff, v0;
	v0 =	vmul.f32 $1.131370830e+01, v12  }
0x6d: {  	v1 =	vmul.f32 $1.131370830e+01, v13;
	[tilespmem:s23+$0x82B0] =	vst.add.f32.msk $0xffff, v2  }
0x6e: {  	[tilespmem:s23+$0x82C0] =	vst.add.f32.msk $0xffff, v0;
	v0 =	vmul.f32 $1.131370830e+01, v14  }
0x6f: {  	s29 =	simm.s32 $0x0;
	s24 =	simm.s32 $0x400;
	[tilespmem:s23+$0x82D0] =	vst.add.f32.msk $0xffff, v1  }
.LBB2_2:
0x70: {  	s29 =	sadd.s32 $0x2, s29;
	[tilespmem:s23+$0x82E0] =	vst.add.f32.msk $0xffff, v0;
	s23 =	sshra.s32 s24, $0x2  }
0x71: {  	v0 =	vld [tilespmem:s23+$0x2F0];
	p0 =	slt.u32 s29, $0x3E  }
0x72: {  	v1 =	vld [tilespmem:s23+$0x200]  }
0x73: {  	v2 =	vld [tilespmem:s23+$0x210]  }
0x74: {  	v3 =	vld [tilespmem:s23+$0x220]  }
0x75: {  	v4 =	vld [tilespmem:s23+$0x230]  }
0x76: {  	v5 =	vld [tilespmem:s23+$0x240];
	v0 =	vmul.f32 $1.131370830e+01, v0  }
0x77: {  	v1 =	vmul.f32 $1.131370830e+01, v1;
	v6 =	vld [tilespmem:s23+$0x250]  }
0x78: {  	v2 =	vmul.f32 $1.131370830e+01, v2;
	[tilespmem:s23+$0x82F0] =	vst.add.f32.msk $0xffff, v0  }
0x79: {  	v0 =	vmul.f32 $1.131370830e+01, v3;
	v3 =	vld [tilespmem:s23+$0x260]  }
0x7a: {  	v4 =	vmul.f32 $1.131370830e+01, v4;
	v7 =	vld [tilespmem:s23+$0x270]  }
0x7b: {  	v5 =	vmul.f32 $1.131370830e+01, v5;
	v8 =	vld [tilespmem:s23+$0x280]  }
0x7c: {  	v6 =	vmul.f32 $1.131370830e+01, v6;
	v9 =	vld [tilespmem:s23+$0x290]  }
0x7d: {  	v10 =	vld [tilespmem:s23+$0x2A0]  }
0x7e: {  	v3 =	vmul.f32 $1.131370830e+01, v3;
	v11 =	vld [tilespmem:s23+$0x2B0]  }
0x7f: {  	v7 =	vmul.f32 $1.131370830e+01, v7;
	v12 =	vld [tilespmem:s23+$0x2C0]  }
0x80: {  	v8 =	vmul.f32 $1.131370830e+01, v8;
	v13 =	vld [tilespmem:s23+$0x2D0]  }
0x81: {  	v9 =	vmul.f32 $1.131370830e+01, v9;
	v14 =	vld [tilespmem:s23+$0x2E0]  }
0x82: {  	[tilespmem:s23+$0x8200] =	vst.add.f32.msk $0xffff, v1;
	v1 =	vmul.f32 $1.131370830e+01, v10  }
0x83: {  	[tilespmem:s23+$0x8210] =	vst.add.f32.msk $0xffff, v2;
	v2 =	vmul.f32 $1.131370830e+01, v11  }
0x84: {  	[tilespmem:s23+$0x8220] =	vst.add.f32.msk $0xffff, v0;
	v10 =	vmul.f32 $1.131370830e+01, v12  }
0x85: {  	[tilespmem:s23+$0x8230] =	vst.add.f32.msk $0xffff, v4;
	v4 =	vmul.f32 $1.131370830e+01, v13  }
0x86: {  	[tilespmem:s23+$0x8240] =	vst.add.f32.msk $0xffff, v5;
	v0 =	vmul.f32 $1.131370830e+01, v14  }
0x87: {  	[tilespmem:s23+$0x8250] =	vst.add.f32.msk $0xffff, v6  }
0x88: {  	[tilespmem:s23+$0x8260] =	vst.add.f32.msk $0xffff, v3  }
0x89: {  	[tilespmem:s23+$0x8270] =	vst.add.f32.msk $0xffff, v7  }
0x8a: {  	[tilespmem:s23+$0x8280] =	vst.add.f32.msk $0xffff, v8  }
.Ltmp0:
0x8b: {  	[tilespmem:s23+$0x8290] =	vst.add.f32.msk $0xffff, v9;
	(pc) =	sbr.rel @p0 .LBB2_2-.Ltmp0, $4  }
0x8c: {  	[tilespmem:s23+$0x82A0] =	vst.add.f32.msk $0xffff, v1  }
0x8d: {  	[tilespmem:s23+$0x82B0] =	vst.add.f32.msk $0xffff, v2  }
0x8e: {  	[tilespmem:s23+$0x82C0] =	vst.add.f32.msk $0xffff, v10  }
0x8f: {  	s24 =	sadd.s32 $0x400, s24;
	[tilespmem:s23+$0x82D0] =	vst.add.f32.msk $0xffff, v4  }
0x90: {  	[tilespmem:s23+$0x82E0] =	vst.add.f32.msk $0xffff, v0;
	s23 =	sadd.s32 s14, s15;
	s24 =	simm.s32 $0x0  }
0x91: {  	[hbm4b:s23+s24] =	stream.linear.scatter [tilespmem:s31], [sflag:$0xD], $0x2000, $0x38;
	[tilespmem:$0x12200] =	vst v63  }
0x92: {  	_ =	swait.ge [sflag:s7], $0x2000  }
0x93: {  	[sflag:s7] =	ssyncset.done $0x0  }
0x94: {  	[sflag:s7] =	ssyncadd.s32 $0xFFFFE000  }
0x95: {  	_ =	swait.ge [sflag:s8], $0x2000  }
0x96: {  	[sflag:s8] =	ssyncset.done $0x0  }
0x97: {  	s23 =	simm.s32 $0x0;
	[sflag:s8] =	ssyncadd.s32 $0xFFFFE000  }
0x98: {  	v0 =	vld [tilespmem:s23+$0x22F0]  }
0x99: {  	v1 =	vld [tilespmem:s23+$0x2200]  }
0x9a: {  	v2 =	vld [tilespmem:s23+$0x2210]  }
0x9b: {  	v3 =	vld [tilespmem:s23+$0x2220]  }
0x9c: {  	v4 =	vld [tilespmem:s23+$0x2230]  }
0x9d: {  	v5 =	vld [tilespmem:s23+$0x2240]  }
0x9e: {  	v6 =	vld [tilespmem:s23+$0x2250]  }
0x9f: {  	v7 =	vld [tilespmem:s23+$0x2270]  }
0xa0: {  	v8 =	vld [tilespmem:s23+$0x2280]  }
0xa1: {  	v9 =	vld [tilespmem:s23+$0x2290]  }
0xa2: {  	v10 =	vld [tilespmem:s23+$0x22A0]  }
0xa3: {  	v11 =	vld [tilespmem:s23+$0x22B0]  }
0xa4: {  	v12 =	vld [tilespmem:s23+$0x22C0]  }
0xa5: {  	v13 =	vld [tilespmem:s23+$0x22D0];
	v0 =	vmul.f32 $1.131370830e+01, v0  }
0xa6: {  	v14 =	vld [tilespmem:s23+$0x22E0]  }
0xa7: {  	v1 =	vmul.f32 $1.131370830e+01, v1;
	[tilespmem:s23+$0xA2F0] =	vst.add.f32.msk $0xffff, v0  }
0xa8: {  	v2 =	vmul.f32 $1.131370830e+01, v2;
	v0 =	vld [tilespmem:s23+$0x2260]  }
0xa9: {  	v3 =	vmul.f32 $1.131370830e+01, v3;
	[tilespmem:s23+$0xA200] =	vst.add.f32.msk $0xffff, v1  }
0xaa: {  	v1 =	vmul.f32 $1.131370830e+01, v4;
	[tilespmem:s23+$0xA210] =	vst.add.f32.msk $0xffff, v2  }
0xab: {  	v2 =	vmul.f32 $1.131370830e+01, v5;
	[tilespmem:s23+$0xA220] =	vst.add.f32.msk $0xffff, v3  }
0xac: {  	v3 =	vmul.f32 $1.131370830e+01, v6;
	[tilespmem:s23+$0xA230] =	vst.add.f32.msk $0xffff, v1  }
0xad: {  	[tilespmem:s23+$0xA240] =	vst.add.f32.msk $0xffff, v2;
	v1 =	vmul.f32 $1.131370830e+01, v7  }
0xae: {  	[tilespmem:s23+$0xA250] =	vst.add.f32.msk $0xffff, v3;
	v2 =	vmul.f32 $1.131370830e+01, v8  }
0xaf: {  	[tilespmem:s23+$0xA270] =	vst.add.f32.msk $0xffff, v1;
	v0 =	vmul.f32 $1.131370830e+01, v0  }
0xb0: {  	v1 =	vmul.f32 $1.131370830e+01, v10;
	[tilespmem:s23+$0xA280] =	vst.add.f32.msk $0xffff, v2  }
0xb1: {  	[tilespmem:s23+$0xA260] =	vst.add.f32.msk $0xffff, v0;
	v0 =	vmul.f32 $1.131370830e+01, v9  }
0xb2: {  	v2 =	vmul.f32 $1.131370830e+01, v11;
	[tilespmem:s23+$0xA2A0] =	vst.add.f32.msk $0xffff, v1  }
0xb3: {  	[tilespmem:s23+$0xA290] =	vst.add.f32.msk $0xffff, v0;
	v0 =	vmul.f32 $1.131370830e+01, v12  }
0xb4: {  	v1 =	vmul.f32 $1.131370830e+01, v13;
	[tilespmem:s23+$0xA2B0] =	vst.add.f32.msk $0xffff, v2  }
0xb5: {  	[tilespmem:s23+$0xA2C0] =	vst.add.f32.msk $0xffff, v0;
	v0 =	vmul.f32 $1.131370830e+01, v14  }
0xb6: {  	s29 =	simm.s32 $0x40;
	s24 =	simm.s32 $0x400;
	[tilespmem:s23+$0xA2D0] =	vst.add.f32.msk $0xffff, v1  }
.LBB2_4:
0xb7: {  	s29 =	sadd.s32 $0x2, s29;
	[tilespmem:s23+$0xA2E0] =	vst.add.f32.msk $0xffff, v0;
	s23 =	sshra.s32 s24, $0x2  }
0xb8: {  	v0 =	vld [tilespmem:s23+$0x22F0];
	p0 =	slt.u32 s29, $0x7E  }
0xb9: {  	v1 =	vld [tilespmem:s23+$0x2200]  }
0xba: {  	v2 =	vld [tilespmem:s23+$0x2210]  }
0xbb: {  	v3 =	vld [tilespmem:s23+$0x2220]  }
0xbc: {  	v4 =	vld [tilespmem:s23+$0x2230]  }
0xbd: {  	v5 =	vld [tilespmem:s23+$0x2240];
	v0 =	vmul.f32 $1.131370830e+01, v0  }
0xbe: {  	v1 =	vmul.f32 $1.131370830e+01, v1;
	v6 =	vld [tilespmem:s23+$0x2250]  }
0xbf: {  	v2 =	vmul.f32 $1.131370830e+01, v2;
	[tilespmem:s23+$0xA2F0] =	vst.add.f32.msk $0xffff, v0  }
0xc0: {  	v0 =	vmul.f32 $1.131370830e+01, v3;
	v3 =	vld [tilespmem:s23+$0x2260]  }
0xc1: {  	v4 =	vmul.f32 $1.131370830e+01, v4;
	v7 =	vld [tilespmem:s23+$0x2270]  }
0xc2: {  	v5 =	vmul.f32 $1.131370830e+01, v5;
	v8 =	vld [tilespmem:s23+$0x2280]  }
0xc3: {  	v6 =	vmul.f32 $1.131370830e+01, v6;
	v9 =	vld [tilespmem:s23+$0x2290]  }
0xc4: {  	v10 =	vld [tilespmem:s23+$0x22A0]  }
0xc5: {  	v3 =	vmul.f32 $1.131370830e+01, v3;
	v11 =	vld [tilespmem:s23+$0x22B0]  }
0xc6: {  	v7 =	vmul.f32 $1.131370830e+01, v7;
	v12 =	vld [tilespmem:s23+$0x22C0]  }
0xc7: {  	v8 =	vmul.f32 $1.131370830e+01, v8;
	v13 =	vld [tilespmem:s23+$0x22D0]  }
0xc8: {  	v9 =	vmul.f32 $1.131370830e+01, v9;
	v14 =	vld [tilespmem:s23+$0x22E0]  }
0xc9: {  	[tilespmem:s23+$0xA200] =	vst.add.f32.msk $0xffff, v1;
	v1 =	vmul.f32 $1.131370830e+01, v10  }
0xca: {  	[tilespmem:s23+$0xA210] =	vst.add.f32.msk $0xffff, v2;
	v2 =	vmul.f32 $1.131370830e+01, v11  }
0xcb: {  	[tilespmem:s23+$0xA220] =	vst.add.f32.msk $0xffff, v0;
	v10 =	vmul.f32 $1.131370830e+01, v12  }
0xcc: {  	[tilespmem:s23+$0xA230] =	vst.add.f32.msk $0xffff, v4;
	v4 =	vmul.f32 $1.131370830e+01, v13  }
0xcd: {  	[tilespmem:s23+$0xA240] =	vst.add.f32.msk $0xffff, v5;
	v0 =	vmul.f32 $1.131370830e+01, v14  }
0xce: {  	[tilespmem:s23+$0xA250] =	vst.add.f32.msk $0xffff, v6  }
0xcf: {  	[tilespmem:s23+$0xA260] =	vst.add.f32.msk $0xffff, v3  }
0xd0: {  	[tilespmem:s23+$0xA270] =	vst.add.f32.msk $0xffff, v7  }
0xd1: {  	[tilespmem:s23+$0xA280] =	vst.add.f32.msk $0xffff, v8  }
.Ltmp1:
0xd2: {  	[tilespmem:s23+$0xA290] =	vst.add.f32.msk $0xffff, v9;
	(pc) =	sbr.rel @p0 .LBB2_4-.Ltmp1, $4  }
0xd3: {  	[tilespmem:s23+$0xA2A0] =	vst.add.f32.msk $0xffff, v1  }
0xd4: {  	[tilespmem:s23+$0xA2B0] =	vst.add.f32.msk $0xffff, v2  }
0xd5: {  	[tilespmem:s23+$0xA2C0] =	vst.add.f32.msk $0xffff, v10  }
0xd6: {  	s24 =	sadd.s32 $0x400, s24;
	[tilespmem:s23+$0xA2D0] =	vst.add.f32.msk $0xffff, v4  }
0xd7: {  	[tilespmem:s23+$0xA2E0] =	vst.add.f32.msk $0xffff, v0;
	s31 =	simm.s32 $0x0;
	s24 =	rddreg [dreg:$0x11];
	s29 =	simm.s32 $0xA200  }
0xd8: {  	[hbm4b:s24+s31] =	stream.linear.scatter [tilespmem:s29], [sflag:$0xE], $0x2000, $0x38;
	[tilespmem:$0x12200] =	vst v63  }
0xd9: {  	_ =	swait.ge [sflag:s10], $0x2000  }
0xda: {  	[sflag:s10] =	ssyncset.done $0x0  }
0xdb: {  	[sflag:s10] =	ssyncadd.s32 $0xFFFFE000  }
0xdc: {  	_ =	swait.ge [sflag:s11], $0x2000  }
0xdd: {  	[sflag:s11] =	ssyncset.done $0x0  }
0xde: {  	s23 =	simm.s32 $0x0;
	[sflag:s11] =	ssyncadd.s32 $0xFFFFE000  }
0xdf: {  	v0 =	vld [tilespmem:s23+$0x42F0]  }
0xe0: {  	v1 =	vld [tilespmem:s23+$0x4200]  }
0xe1: {  	v2 =	vld [tilespmem:s23+$0x4210]  }
0xe2: {  	v3 =	vld [tilespmem:s23+$0x4220]  }
0xe3: {  	v4 =	vld [tilespmem:s23+$0x4230]  }
0xe4: {  	v5 =	vld [tilespmem:s23+$0x4240]  }
0xe5: {  	v6 =	vld [tilespmem:s23+$0x4250]  }
0xe6: {  	v7 =	vld [tilespmem:s23+$0x4270]  }
0xe7: {  	v8 =	vld [tilespmem:s23+$0x4280]  }
0xe8: {  	v9 =	vld [tilespmem:s23+$0x4290]  }
0xe9: {  	v10 =	vld [tilespmem:s23+$0x42A0]  }
0xea: {  	v11 =	vld [tilespmem:s23+$0x42B0]  }
0xeb: {  	v12 =	vld [tilespmem:s23+$0x42C0]  }
0xec: {  	v13 =	vld [tilespmem:s23+$0x42D0];
	v0 =	vmul.f32 $1.131370830e+01, v0  }
0xed: {  	v14 =	vld [tilespmem:s23+$0x42E0]  }
0xee: {  	v1 =	vmul.f32 $1.131370830e+01, v1;
	[tilespmem:s23+$0xC2F0] =	vst.add.f32.msk $0xffff, v0  }
0xef: {  	v2 =	vmul.f32 $1.131370830e+01, v2;
	v0 =	vld [tilespmem:s23+$0x4260]  }
0xf0: {  	v3 =	vmul.f32 $1.131370830e+01, v3;
	[tilespmem:s23+$0xC200] =	vst.add.f32.msk $0xffff, v1  }
0xf1: {  	v1 =	vmul.f32 $1.131370830e+01, v4;
	[tilespmem:s23+$0xC210] =	vst.add.f32.msk $0xffff, v2  }
0xf2: {  	v2 =	vmul.f32 $1.131370830e+01, v5;
	[tilespmem:s23+$0xC220] =	vst.add.f32.msk $0xffff, v3  }
0xf3: {  	v3 =	vmul.f32 $1.131370830e+01, v6;
	[tilespmem:s23+$0xC230] =	vst.add.f32.msk $0xffff, v1  }
0xf4: {  	[tilespmem:s23+$0xC240] =	vst.add.f32.msk $0xffff, v2;
	v1 =	vmul.f32 $1.131370830e+01, v7  }
0xf5: {  	[tilespmem:s23+$0xC250] =	vst.add.f32.msk $0xffff, v3;
	v2 =	vmul.f32 $1.131370830e+01, v8  }
0xf6: {  	[tilespmem:s23+$0xC270] =	vst.add.f32.msk $0xffff, v1;
	v0 =	vmul.f32 $1.131370830e+01, v0  }
0xf7: {  	v1 =	vmul.f32 $1.131370830e+01, v10;
	[tilespmem:s23+$0xC280] =	vst.add.f32.msk $0xffff, v2  }
0xf8: {  	[tilespmem:s23+$0xC260] =	vst.add.f32.msk $0xffff, v0;
	v0 =	vmul.f32 $1.131370830e+01, v9  }
0xf9: {  	v2 =	vmul.f32 $1.131370830e+01, v11;
	[tilespmem:s23+$0xC2A0] =	vst.add.f32.msk $0xffff, v1  }
0xfa: {  	[tilespmem:s23+$0xC290] =	vst.add.f32.msk $0xffff, v0;
	v0 =	vmul.f32 $1.131370830e+01, v12  }
0xfb: {  	v1 =	vmul.f32 $1.131370830e+01, v13;
	[tilespmem:s23+$0xC2B0] =	vst.add.f32.msk $0xffff, v2  }
0xfc: {  	[tilespmem:s23+$0xC2C0] =	vst.add.f32.msk $0xffff, v0;
	v0 =	vmul.f32 $1.131370830e+01, v14  }
0xfd: {  	s29 =	simm.s32 $0x80;
	s24 =	simm.s32 $0x400;
	[tilespmem:s23+$0xC2D0] =	vst.add.f32.msk $0xffff, v1  }
.LBB2_6:
0xfe: {  	s29 =	sadd.s32 $0x2, s29;
	[tilespmem:s23+$0xC2E0] =	vst.add.f32.msk $0xffff, v0;
	s23 =	sshra.s32 s24, $0x2  }
0xff: {  	v0 =	vld [tilespmem:s23+$0x42F0];
	p0 =	slt.u32 s29, $0xBE  }
0x100: {  	v1 =	vld [tilespmem:s23+$0x4200]  }
0x101: {  	v2 =	vld [tilespmem:s23+$0x4210]  }
0x102: {  	v3 =	vld [tilespmem:s23+$0x4220]  }
0x103: {  	v4 =	vld [tilespmem:s23+$0x4230]  }
0x104: {  	v5 =	vld [tilespmem:s23+$0x4240];
	v0 =	vmul.f32 $1.131370830e+01, v0  }
0x105: {  	v1 =	vmul.f32 $1.131370830e+01, v1;
	v6 =	vld [tilespmem:s23+$0x4250]  }
0x106: {  	v2 =	vmul.f32 $1.131370830e+01, v2;
	[tilespmem:s23+$0xC2F0] =	vst.add.f32.msk $0xffff, v0  }
0x107: {  	v0 =	vmul.f32 $1.131370830e+01, v3;
	v3 =	vld [tilespmem:s23+$0x4260]  }
0x108: {  	v4 =	vmul.f32 $1.131370830e+01, v4;
	v7 =	vld [tilespmem:s23+$0x4270]  }
0x109: {  	v5 =	vmul.f32 $1.131370830e+01, v5;
	v8 =	vld [tilespmem:s23+$0x4280]  }
0x10a: {  	v6 =	vmul.f32 $1.131370830e+01, v6;
	v9 =	vld [tilespmem:s23+$0x4290]  }
0x10b: {  	v10 =	vld [tilespmem:s23+$0x42A0]  }
0x10c: {  	v3 =	vmul.f32 $1.131370830e+01, v3;
	v11 =	vld [tilespmem:s23+$0x42B0]  }
0x10d: {  	v7 =	vmul.f32 $1.131370830e+01, v7;
	v12 =	vld [tilespmem:s23+$0x42C0]  }
0x10e: {  	v8 =	vmul.f32 $1.131370830e+01, v8;
	v13 =	vld [tilespmem:s23+$0x42D0]  }
0x10f: {  	v9 =	vmul.f32 $1.131370830e+01, v9;
	v14 =	vld [tilespmem:s23+$0x42E0]  }
0x110: {  	[tilespmem:s23+$0xC200] =	vst.add.f32.msk $0xffff, v1;
	v1 =	vmul.f32 $1.131370830e+01, v10  }
0x111: {  	[tilespmem:s23+$0xC210] =	vst.add.f32.msk $0xffff, v2;
	v2 =	vmul.f32 $1.131370830e+01, v11  }
0x112: {  	[tilespmem:s23+$0xC220] =	vst.add.f32.msk $0xffff, v0;
	v10 =	vmul.f32 $1.131370830e+01, v12  }
0x113: {  	[tilespmem:s23+$0xC230] =	vst.add.f32.msk $0xffff, v4;
	v4 =	vmul.f32 $1.131370830e+01, v13  }
0x114: {  	[tilespmem:s23+$0xC240] =	vst.add.f32.msk $0xffff, v5;
	v0 =	vmul.f32 $1.131370830e+01, v14  }
0x115: {  	[tilespmem:s23+$0xC250] =	vst.add.f32.msk $0xffff, v6  }
0x116: {  	[tilespmem:s23+$0xC260] =	vst.add.f32.msk $0xffff, v3  }
0x117: {  	[tilespmem:s23+$0xC270] =	vst.add.f32.msk $0xffff, v7  }
0x118: {  	[tilespmem:s23+$0xC280] =	vst.add.f32.msk $0xffff, v8  }
.Ltmp2:
0x119: {  	[tilespmem:s23+$0xC290] =	vst.add.f32.msk $0xffff, v9;
	(pc) =	sbr.rel @p0 .LBB2_6-.Ltmp2, $4  }
0x11a: {  	[tilespmem:s23+$0xC2A0] =	vst.add.f32.msk $0xffff, v1  }
0x11b: {  	[tilespmem:s23+$0xC2B0] =	vst.add.f32.msk $0xffff, v2  }
0x11c: {  	[tilespmem:s23+$0xC2C0] =	vst.add.f32.msk $0xffff, v10  }
0x11d: {  	s24 =	sadd.s32 $0x400, s24;
	[tilespmem:s23+$0xC2D0] =	vst.add.f32.msk $0xffff, v4  }
0x11e: {  	[tilespmem:s23+$0xC2E0] =	vst.add.f32.msk $0xffff, v0;
	s31 =	simm.s32 $0x0;
	s24 =	rddreg [dreg:$0x12]  }
0x11f: {  	[hbm4b:s24+s31] =	stream.linear.scatter [tilespmem:s2], [sflag:$0xF], $0x2000, $0x38;
	[tilespmem:$0x12200] =	vst v63  }
0x120: {  	_ =	swait.ge [sflag:s18], $0x2000  }
0x121: {  	[sflag:s18] =	ssyncset.done $0x0  }
0x122: {  	[sflag:s18] =	ssyncadd.s32 $0xFFFFE000  }
0x123: {  	_ =	swait.ge [sflag:s12], $0x2000  }
0x124: {  	[sflag:s12] =	ssyncset.done $0x0  }
0x125: {  	s23 =	simm.s32 $0x0;
	[sflag:s12] =	ssyncadd.s32 $0xFFFFE000  }
0x126: {  	v0 =	vld [tilespmem:s23+$0x62F0]  }
0x127: {  	v1 =	vld [tilespmem:s23+$0x6200]  }
0x128: {  	v2 =	vld [tilespmem:s23+$0x6210]  }
0x129: {  	v3 =	vld [tilespmem:s23+$0x6220]  }
0x12a: {  	v4 =	vld [tilespmem:s23+$0x6230]  }
0x12b: {  	v5 =	vld [tilespmem:s23+$0x6240]  }
0x12c: {  	v6 =	vld [tilespmem:s23+$0x6250]  }
0x12d: {  	v7 =	vld [tilespmem:s23+$0x6270]  }
0x12e: {  	v8 =	vld [tilespmem:s23+$0x6280]  }
0x12f: {  	v9 =	vld [tilespmem:s23+$0x6290]  }
0x130: {  	v10 =	vld [tilespmem:s23+$0x62A0]  }
0x131: {  	v11 =	vld [tilespmem:s23+$0x62B0]  }
0x132: {  	v12 =	vld [tilespmem:s23+$0x62C0]  }
0x133: {  	v13 =	vld [tilespmem:s23+$0x62D0];
	v0 =	vmul.f32 $1.131370830e+01, v0  }
0x134: {  	v14 =	vld [tilespmem:s23+$0x62E0]  }
0x135: {  	v1 =	vmul.f32 $1.131370830e+01, v1;
	[tilespmem:s23+$0xE2F0] =	vst.add.f32.msk $0xffff, v0  }
0x136: {  	v2 =	vmul.f32 $1.131370830e+01, v2;
	v0 =	vld [tilespmem:s23+$0x6260]  }
0x137: {  	v3 =	vmul.f32 $1.131370830e+01, v3;
	[tilespmem:s23+$0xE200] =	vst.add.f32.msk $0xffff, v1  }
0x138: {  	v1 =	vmul.f32 $1.131370830e+01, v4;
	[tilespmem:s23+$0xE210] =	vst.add.f32.msk $0xffff, v2  }
0x139: {  	v2 =	vmul.f32 $1.131370830e+01, v5;
	[tilespmem:s23+$0xE220] =	vst.add.f32.msk $0xffff, v3  }
0x13a: {  	v3 =	vmul.f32 $1.131370830e+01, v6;
	[tilespmem:s23+$0xE230] =	vst.add.f32.msk $0xffff, v1  }
0x13b: {  	[tilespmem:s23+$0xE240] =	vst.add.f32.msk $0xffff, v2;
	v1 =	vmul.f32 $1.131370830e+01, v7  }
0x13c: {  	[tilespmem:s23+$0xE250] =	vst.add.f32.msk $0xffff, v3;
	v2 =	vmul.f32 $1.131370830e+01, v8  }
0x13d: {  	[tilespmem:s23+$0xE270] =	vst.add.f32.msk $0xffff, v1;
	v0 =	vmul.f32 $1.131370830e+01, v0  }
0x13e: {  	v1 =	vmul.f32 $1.131370830e+01, v10;
	[tilespmem:s23+$0xE280] =	vst.add.f32.msk $0xffff, v2  }
0x13f: {  	[tilespmem:s23+$0xE260] =	vst.add.f32.msk $0xffff, v0;
	v0 =	vmul.f32 $1.131370830e+01, v9  }
0x140: {  	v2 =	vmul.f32 $1.131370830e+01, v11;
	[tilespmem:s23+$0xE2A0] =	vst.add.f32.msk $0xffff, v1  }
0x141: {  	[tilespmem:s23+$0xE290] =	vst.add.f32.msk $0xffff, v0;
	v0 =	vmul.f32 $1.131370830e+01, v12  }
0x142: {  	v1 =	vmul.f32 $1.131370830e+01, v13;
	[tilespmem:s23+$0xE2B0] =	vst.add.f32.msk $0xffff, v2  }
0x143: {  	[tilespmem:s23+$0xE2C0] =	vst.add.f32.msk $0xffff, v0;
	v0 =	vmul.f32 $1.131370830e+01, v14  }
0x144: {  	s29 =	simm.s32 $0xC0;
	s24 =	simm.s32 $0x400;
	[tilespmem:s23+$0xE2D0] =	vst.add.f32.msk $0xffff, v1  }
.LBB2_8:
0x145: {  	s29 =	sadd.s32 $0x2, s29;
	[tilespmem:s23+$0xE2E0] =	vst.add.f32.msk $0xffff, v0;
	s23 =	sshra.s32 s24, $0x2  }
0x146: {  	v0 =	vld [tilespmem:s23+$0x62F0];
	p0 =	slt.u32 s29, $0xFE  }
0x147: {  	v1 =	vld [tilespmem:s23+$0x6200]  }
0x148: {  	v2 =	vld [tilespmem:s23+$0x6210]  }
0x149: {  	v3 =	vld [tilespmem:s23+$0x6220]  }
0x14a: {  	v4 =	vld [tilespmem:s23+$0x6230]  }
0x14b: {  	v5 =	vld [tilespmem:s23+$0x6240];
	v0 =	vmul.f32 $1.131370830e+01, v0  }
0x14c: {  	v1 =	vmul.f32 $1.131370830e+01, v1;
	v6 =	vld [tilespmem:s23+$0x6250]  }
0x14d: {  	v2 =	vmul.f32 $1.131370830e+01, v2;
	[tilespmem:s23+$0xE2F0] =	vst.add.f32.msk $0xffff, v0  }
0x14e: {  	v0 =	vmul.f32 $1.131370830e+01, v3;
	v3 =	vld [tilespmem:s23+$0x6260]  }
0x14f: {  	v4 =	vmul.f32 $1.131370830e+01, v4;
	v7 =	vld [tilespmem:s23+$0x6270]  }
0x150: {  	v5 =	vmul.f32 $1.131370830e+01, v5;
	v8 =	vld [tilespmem:s23+$0x6280]  }
0x151: {  	v6 =	vmul.f32 $1.131370830e+01, v6;
	v9 =	vld [tilespmem:s23+$0x6290]  }
0x152: {  	v10 =	vld [tilespmem:s23+$0x62A0]  }
0x153: {  	v3 =	vmul.f32 $1.131370830e+01, v3;
	v11 =	vld [tilespmem:s23+$0x62B0]  }
0x154: {  	v7 =	vmul.f32 $1.131370830e+01, v7;
	v12 =	vld [tilespmem:s23+$0x62C0]  }
0x155: {  	v8 =	vmul.f32 $1.131370830e+01, v8;
	v13 =	vld [tilespmem:s23+$0x62D0]  }
0x156: {  	v9 =	vmul.f32 $1.131370830e+01, v9;
	v14 =	vld [tilespmem:s23+$0x62E0]  }
0x157: {  	[tilespmem:s23+$0xE200] =	vst.add.f32.msk $0xffff, v1;
	v1 =	vmul.f32 $1.131370830e+01, v10  }
0x158: {  	[tilespmem:s23+$0xE210] =	vst.add.f32.msk $0xffff, v2;
	v2 =	vmul.f32 $1.131370830e+01, v11  }
0x159: {  	[tilespmem:s23+$0xE220] =	vst.add.f32.msk $0xffff, v0;
	v10 =	vmul.f32 $1.131370830e+01, v12  }
0x15a: {  	[tilespmem:s23+$0xE230] =	vst.add.f32.msk $0xffff, v4;
	v4 =	vmul.f32 $1.131370830e+01, v13  }
0x15b: {  	[tilespmem:s23+$0xE240] =	vst.add.f32.msk $0xffff, v5;
	v0 =	vmul.f32 $1.131370830e+01, v14  }
0x15c: {  	[tilespmem:s23+$0xE250] =	vst.add.f32.msk $0xffff, v6  }
0x15d: {  	[tilespmem:s23+$0xE260] =	vst.add.f32.msk $0xffff, v3  }
0x15e: {  	[tilespmem:s23+$0xE270] =	vst.add.f32.msk $0xffff, v7  }
0x15f: {  	[tilespmem:s23+$0xE280] =	vst.add.f32.msk $0xffff, v8  }
.Ltmp3:
0x160: {  	[tilespmem:s23+$0xE290] =	vst.add.f32.msk $0xffff, v9;
	(pc) =	sbr.rel @p0 .LBB2_8-.Ltmp3, $4  }
0x161: {  	[tilespmem:s23+$0xE2A0] =	vst.add.f32.msk $0xffff, v1  }
0x162: {  	[tilespmem:s23+$0xE2B0] =	vst.add.f32.msk $0xffff, v2  }
0x163: {  	[tilespmem:s23+$0xE2C0] =	vst.add.f32.msk $0xffff, v10  }
0x164: {  	s24 =	sadd.s32 $0x400, s24;
	[tilespmem:s23+$0xE2D0] =	vst.add.f32.msk $0xffff, v4  }
0x165: {  	[tilespmem:s23+$0xE2E0] =	vst.add.f32.msk $0xffff, v0  }
0x166: {  	[hbm4b:s25+s3] =	stream.linear.scatter [tilespmem:s4], [sflag:$0x10], $0x2000, $0x38;
	[tilespmem:$0x12200] =	vst v63  }
0x167: {  	_ =	swait.ge [sflag:s19], $0x2000  }
0x168: {  	[sflag:s19] =	ssyncset.done $0x0  }
0x169: {  	[sflag:s19] =	ssyncadd.s32 $0xFFFFE000  }
0x16a: {  	_ =	swait.ge [sflag:s13], $0x2000  }
0x16b: {  	[sflag:s13] =	ssyncset.done $0x0  }
0x16c: {  	[sflag:s13] =	ssyncadd.s32 $0xFFFFE000  }
0x16d: {  	_ =	swait.ge [sflag:s20], $0x2000  }
0x16e: {  	[sflag:s20] =	ssyncset.done $0x0  }
0x16f: {  	[sflag:s20] =	ssyncadd.s32 $0xFFFFE000  }
0x170: {  	_ =	swait.ge [sflag:s16], $0x2000  }
0x171: {  	s17 =	sadd.s32 $0x1, s17;
	s31 =	rddreg [dreg:$0xf]  }
0x172: {  	p0 =	sne.s32 s17, s31  }
.Ltmp4:
0x173: {  	_ = 	snop;
	(pc) =	sbr.rel @p0 .LBB2_1-.Ltmp4, $3  }
0x174: {  	_ =	sdelay $0x1  }
0x175: {  	[sflag:s16] =	ssyncset.done $0x0  }
0x176: {  	[sflag:s16] =	ssyncadd.s32 $0xFFFFE000  }
0x177: {  	_ =	sfence.sel $0x180000  }
0x178: {  	[bflag:$0x0] =	sbarrier.arrive $0xFFFF  }
0x179: {  	_ =	strace $0x90000047  }
0x17a: {  	s0 =	stileid.u32;
	[bflag:$0x2] =	sbarrier.arrive $0xFFFF  }
0x17b: {  	p0 =	sne.s32 s0, $0x0;
	s0 =	rddreg [dreg:$0x5]  }
0x17c: {  	s0 =	sadd.s32 @!p0 $0x100000, s0  }
0x17d: {  	[sflag:s0] =	ssyncadd.tile.s32 @!p0 $0x1;
	_ =	shalt  }
.Lfunc_end2:
_tile_overlayer_lowered:
.L_overlay_start_2:
0x17e: {  	(tag) =	ssettag $0x2  }
0x17f: {  	s0 =	rddreg [dreg:$0x0];
	s2 =	stileid.u32  }
0x180: {  	s1 =	rddreg [dreg:$0x1];
	p0 =	sne.s32 s2, $0x0  }
0x181: {  	s3 =	rddreg [dreg:$0x2];
	[bflag:$0x3] =	sbarrier.arrive $0xFFFF;
	s2 =	simm.s32 @!p0 $0x1C12  }
0x182: {  	[timem:s3], [sflag:s2] =	dma.local @!p0 [hbm:s0], s1  }
0x183: {  	s0 =	simm.s32 @!p0 $0x12  }
0x184: {  	_ =	swait.ge @!p0 [sflag:s0], s1  }
0x185: {  	s1 =	ssub.s32 @!p0 $0x0, s1;
	[sflag:s0] =	ssyncset.done @!p0 $0x0  }
0x186: {  	[sflag:s0] =	ssyncadd.s32 @!p0 s1  }
0x187: {  	[bflag:$0x3] =	sbarrier.arrive $0xFFFF  }
0x188: {  	_ =	shalt  }

</sc_bundles>
